<compile_context>
chip_gen: v7x
topology: tpu7x:2x2x1
jax: 0.10.2.dev20260603
libtpu: 0.0.44.dev20260713+nightly
codegen_flags: <defaults>
</compile_context>

<pallas_src>
import functools

import jax
import jax.numpy as jnp
from jax import lax
from jax.experimental import pallas as pl
from jax.experimental.pallas import tpu as pltpu
from jax.experimental.pallas import tpu_sc as plsc

_R = 2
_NBUF = 8
_PF = 4


def kernel(x, pos_table):
    B, S, D = x.shape
    info = plsc.get_sparse_core_info()
    nc = info.num_cores
    nw = nc * info.num_subcores
    rows_w = S // nw
    n_chunks = rows_w // _R
    n_iters = n_chunks * B
    njb = _NBUF
    assert njb % B == 0 and n_iters % njb == 0

    mesh = plsc.VectorSubcoreMesh(core_axis_name="c", subcore_axis_name="s")

    @functools.partial(
        pl.kernel,
        mesh=mesh,
        out_type=jax.ShapeDtypeStruct((B, S, D), x.dtype),
        scratch_types=(
            [pltpu.VMEM((_R, D), jnp.float32) for _ in range(_NBUF)]
            + [pltpu.VMEM((_R, D), jnp.float32) for _ in range(2)]
            + [pltpu.SemaphoreType.DMA for _ in range(2 * _NBUF + 2)]
        ),
    )
    def k(x_hbm, pos_hbm, out_hbm, *scratch):
        xv = scratch[:_NBUF]
        pv = scratch[_NBUF:_NBUF + 2]
        in_s = scratch[_NBUF + 2:2 * _NBUF + 2]
        out_s = scratch[2 * _NBUF + 2:3 * _NBUF + 2]
        ps = scratch[3 * _NBUF + 2:]

        wid = lax.axis_index("s") * nc + lax.axis_index("c")
        s_base = wid * rows_w

        def pos_copy(k_chunk, q):
            return pltpu.make_async_copy(
                pos_hbm.at[pl.ds(s_base + k_chunk * _R, _R)], pv[q], ps[q])

        def x_in_copy(k_chunk, b, j):
            return pltpu.make_async_copy(
                x_hbm.at[b, pl.ds(s_base + k_chunk * _R, _R)], xv[j], in_s[j])

        def x_out_copy(k_chunk, b, j):
            return pltpu.make_async_copy(
                xv[j], out_hbm.at[b, pl.ds(s_base + k_chunk * _R, _R)], out_s[j])

        pos_copy(0, 0).start()
        for j in range(_PF):
            x_in_copy(j // B, j % B, j).start()

        def body(m, carry):
            for j in range(njb):
                cj = j // B
                q = cj % 2
                b = j % B
                kc = (njb // B) * m + cj
                if j % B == 0:
                    pos_copy(kc, q).wait()

                    @pl.when(kc + 1 < n_chunks)
                    def _():
                        pos_copy(kc + 1, 1 - q).start()

                i = njb * m + j
                x_in_copy(kc, b, j).wait()

                @plsc.parallel_loop(0, D // 16, unroll=8)
                def vec_body(v):
                    sl = pl.ds(v * 16, 16)
                    for r in range(_R):
                        plsc.addupdate(xv[j].at[r, sl], pv[q][r, sl])

                x_out_copy(kc, b, j).start()
                pj = (j + _PF) % _NBUF
                back = _NBUF - _PF
                pq = (j - back) // B
                pb = (j - back) % B

                @pl.when(i >= back)
                def _():
                    x_out_copy((njb // B) * m + pq, pb, pj).wait()

                @pl.when(i + _PF < n_iters)
                def _():
                    x_in_copy((i + _PF) // B, (j + _PF) % B, pj).start()
            return carry

        lax.fori_loop(0, n_iters // njb, body, 0)

        for t in range(n_iters - (_NBUF - _PF), n_iters):
            x_out_copy(t // B, t % B, t % _NBUF).wait()

    return k(x, pos_table)

# --- scband reference (transcript-rebuilt; emitter-appended) ---
"""Pipeline reference for scband-learned-positional-embedding-17746804867863 (READ-ONLY COPY).

The authoritative reference and input builder live on the scoring server;
editing this copy changes nothing except your own understanding.
"""

import jax, jax.numpy as jnp
import numpy as np

D_MODEL = 4096
MAX_LEN = 8192
BATCH = 4
SEQ_LEN = 4096

def setup_inputs(seed: int = 0) -> dict:
    key = jax.random.key(seed)
    k_x, k_emb = jax.random.split(key)
    x = jax.random.normal(k_x, (BATCH, SEQ_LEN, D_MODEL), dtype=jnp.float32)
    # nn.Embedding default init: N(0, 1)
    pos_table = jax.random.normal(k_emb, (MAX_LEN, D_MODEL), dtype=jnp.float32)
    return {"x": x, "pos_table": pos_table}

def reference(x, pos_table):
    # positions = arange(seq_len); gather rows from the learned table
    positions = jnp.arange(x.shape[1])
    pos_emb = jnp.take(pos_table, positions, axis=0)  # (seq_len, d_model)
    out = x + pos_emb[None, :, :]
    # dropout is identity in eval / deterministic reference
    return out

if __name__ == "__main__":
    import jax
    _d = setup_inputs()
    print(jax.jit(kernel)(*tuple(_d.values())))

</pallas_src>

<mosaic_0001>
#map = affine_map<(d0, d1) -> (0, 0, 0)>
#map1 = affine_map<(d0, d1) -> (0, 0)>
module attributes {stable_mosaic.version = 14 : i64} {
  func.func @k(%arg0: i32, %arg1: i32, %arg2: memref<4x4096x4096xf32, #tpu.memory_space<hbm>>, %arg3: memref<8192x4096xf32, #tpu.memory_space<hbm>>, %arg4: memref<4x4096x4096xf32, #tpu.memory_space<hbm>>, %arg5: memref<2x4096xf32, #tpu.memory_space<vmem>>, %arg6: memref<2x4096xf32, #tpu.memory_space<vmem>>, %arg7: memref<2x4096xf32, #tpu.memory_space<vmem>>, %arg8: memref<2x4096xf32, #tpu.memory_space<vmem>>, %arg9: memref<2x4096xf32, #tpu.memory_space<vmem>>, %arg10: memref<2x4096xf32, #tpu.memory_space<vmem>>, %arg11: memref<2x4096xf32, #tpu.memory_space<vmem>>, %arg12: memref<2x4096xf32, #tpu.memory_space<vmem>>, %arg13: memref<2x4096xf32, #tpu.memory_space<vmem>>, %arg14: memref<2x4096xf32, #tpu.memory_space<vmem>>, %arg15: memref<!tpu.dma_semaphore, #tpu.memory_space<semaphore_mem>>, %arg16: memref<!tpu.dma_semaphore, #tpu.memory_space<semaphore_mem>>, %arg17: memref<!tpu.dma_semaphore, #tpu.memory_space<semaphore_mem>>, %arg18: memref<!tpu.dma_semaphore, #tpu.memory_space<semaphore_mem>>, %arg19: memref<!tpu.dma_semaphore, #tpu.memory_space<semaphore_mem>>, %arg20: memref<!tpu.dma_semaphore, #tpu.memory_space<semaphore_mem>>, %arg21: memref<!tpu.dma_semaphore, #tpu.memory_space<semaphore_mem>>, %arg22: memref<!tpu.dma_semaphore, #tpu.memory_space<semaphore_mem>>, %arg23: memref<!tpu.dma_semaphore, #tpu.memory_space<semaphore_mem>>, %arg24: memref<!tpu.dma_semaphore, #tpu.memory_space<semaphore_mem>>, %arg25: memref<!tpu.dma_semaphore, #tpu.memory_space<semaphore_mem>>, %arg26: memref<!tpu.dma_semaphore, #tpu.memory_space<semaphore_mem>>, %arg27: memref<!tpu.dma_semaphore, #tpu.memory_space<semaphore_mem>>, %arg28: memref<!tpu.dma_semaphore, #tpu.memory_space<semaphore_mem>>, %arg29: memref<!tpu.dma_semaphore, #tpu.memory_space<semaphore_mem>>, %arg30: memref<!tpu.dma_semaphore, #tpu.memory_space<semaphore_mem>>, %arg31: memref<!tpu.dma_semaphore, #tpu.memory_space<semaphore_mem>>, %arg32: memref<!tpu.dma_semaphore, #tpu.memory_space<semaphore_mem>>) attributes {dimension_semantics = [#tpu.dimension_semantics<core_parallel>, #tpu.dimension_semantics<subcore_parallel>], iteration_bounds = array<i64: 2, 16>, scalar_prefetch = 0 : i64, scratch_operands = 28 : i64, tpu.core_type = #tpu.core_type<sc_vector_subcore>, window_params = [{transform_indices = #map}, {transform_indices = #map1}, {transform_indices = #map}]} {
    %mul3A = arith.constant 2 : i32
    %mul3A_0 = arith.muli %arg1, %mul3A : i32
    %add3A = arith.addi %mul3A_0, %arg0 : i32
    %mul3A_1 = arith.constant 128 : i32
    %mul3A_2 = arith.muli %add3A, %mul3A_1 : i32
    %add3A_3 = arith.constant 0 : i32
    %add3A_4 = arith.addi %mul3A_2, %add3A_3 : i32
    %dma_start3A = arith.constant 0 : i32
    %dma_start3A_5 = tpu.memref_slice %arg3[%add3A_4, %dma_start3A] : memref<8192x4096xf32, #tpu.memory_space<hbm>> -> memref<2x4096xf32, #tpu.memory_space<hbm>>
    %dma_start3A_6 = arith.constant 0 : i32
    %dma_start3A_7 = tpu.memref_slice %arg3[%add3A_4, %dma_start3A_6] : memref<8192x4096xf32, #tpu.memory_space<hbm>> -> memref<2x4096xf32, #tpu.memory_space<hbm>>
    tpu.enqueue_dma source(%dma_start3A_7 : memref<2x4096xf32, #tpu.memory_space<hbm>>) target(%arg13 : memref<2x4096xf32, #tpu.memory_space<vmem>>) target_semaphore(%arg31 : memref<!tpu.dma_semaphore, #tpu.memory_space<semaphore_mem>>)
    %add3A_8 = arith.constant 0 : i32
    %add3A_9 = arith.addi %mul3A_2, %add3A_8 : i32
    %dma_start3A_10 = arith.constant 0 : i32
    %dma_start3A_11 = arith.constant 0 : i32
    %dma_start3A_12 = tpu.memref_slice %arg2[%dma_start3A_10, %add3A_9, %dma_start3A_11] : memref<4x4096x4096xf32, #tpu.memory_space<hbm>> -> memref<1x2x4096xf32, #tpu.memory_space<hbm>>
    %dma_start3A_13 = tpu.memref_squeeze %dma_start3A_12 : memref<1x2x4096xf32, #tpu.memory_space<hbm>> -> memref<2x4096xf32, #tpu.memory_space<hbm>>
    %dma_start3A_14 = arith.constant 0 : i32
    %dma_start3A_15 = tpu.memref_slice %arg2[%dma_start3A_10, %add3A_9, %dma_start3A_14] : memref<4x4096x4096xf32, #tpu.memory_space<hbm>> -> memref<1x2x4096xf32, #tpu.memory_space<hbm>>
    %dma_start3A_16 = tpu.memref_squeeze %dma_start3A_15 : memref<1x2x4096xf32, #tpu.memory_space<hbm>> -> memref<2x4096xf32, #tpu.memory_space<hbm>>
    tpu.enqueue_dma source(%dma_start3A_16 : memref<2x4096xf32, #tpu.memory_space<hbm>>) target(%arg5 : memref<2x4096xf32, #tpu.memory_space<vmem>>) target_semaphore(%arg15 : memref<!tpu.dma_semaphore, #tpu.memory_space<semaphore_mem>>)
    %add3A_17 = arith.constant 0 : i32
    %add3A_18 = arith.addi %mul3A_2, %add3A_17 : i32
    %dma_start3A_19 = arith.constant 1 : i32
    %dma_start3A_20 = arith.constant 0 : i32
    %dma_start3A_21 = tpu.memref_slice %arg2[%dma_start3A_19, %add3A_18, %dma_start3A_20] : memref<4x4096x4096xf32, #tpu.memory_space<hbm>> -> memref<1x2x4096xf32, #tpu.memory_space<hbm>>
    %dma_start3A_22 = tpu.memref_squeeze %dma_start3A_21 : memref<1x2x4096xf32, #tpu.memory_space<hbm>> -> memref<2x4096xf32, #tpu.memory_space<hbm>>
    %dma_start3A_23 = arith.constant 0 : i32
    %dma_start3A_24 = tpu.memref_slice %arg2[%dma_start3A_19, %add3A_18, %dma_start3A_23] : memref<4x4096x4096xf32, #tpu.memory_space<hbm>> -> memref<1x2x4096xf32, #tpu.memory_space<hbm>>
    %dma_start3A_25 = tpu.memref_squeeze %dma_start3A_24 : memref<1x2x4096xf32, #tpu.memory_space<hbm>> -> memref<2x4096xf32, #tpu.memory_space<hbm>>
    tpu.enqueue_dma source(%dma_start3A_25 : memref<2x4096xf32, #tpu.memory_space<hbm>>) target(%arg6 : memref<2x4096xf32, #tpu.memory_space<vmem>>) target_semaphore(%arg16 : memref<!tpu.dma_semaphore, #tpu.memory_space<semaphore_mem>>)
    %add3A_26 = arith.constant 0 : i32
    %add3A_27 = arith.addi %mul3A_2, %add3A_26 : i32
    %dma_start3A_28 = arith.constant 2 : i32
    %dma_start3A_29 = arith.constant 0 : i32
    %dma_start3A_30 = tpu.memref_slice %arg2[%dma_start3A_28, %add3A_27, %dma_start3A_29] : memref<4x4096x4096xf32, #tpu.memory_space<hbm>> -> memref<1x2x4096xf32, #tpu.memory_space<hbm>>
    %dma_start3A_31 = tpu.memref_squeeze %dma_start3A_30 : memref<1x2x4096xf32, #tpu.memory_space<hbm>> -> memref<2x4096xf32, #tpu.memory_space<hbm>>
    %dma_start3A_32 = arith.constant 0 : i32
    %dma_start3A_33 = tpu.memref_slice %arg2[%dma_start3A_28, %add3A_27, %dma_start3A_32] : memref<4x4096x4096xf32, #tpu.memory_space<hbm>> -> memref<1x2x4096xf32, #tpu.memory_space<hbm>>
    %dma_start3A_34 = tpu.memref_squeeze %dma_start3A_33 : memref<1x2x4096xf32, #tpu.memory_space<hbm>> -> memref<2x4096xf32, #tpu.memory_space<hbm>>
    tpu.enqueue_dma source(%dma_start3A_34 : memref<2x4096xf32, #tpu.memory_space<hbm>>) target(%arg7 : memref<2x4096xf32, #tpu.memory_space<vmem>>) target_semaphore(%arg17 : memref<!tpu.dma_semaphore, #tpu.memory_space<semaphore_mem>>)
    %add3A_35 = arith.constant 0 : i32
    %add3A_36 = arith.addi %mul3A_2, %add3A_35 : i32
    %dma_start3A_37 = arith.constant 3 : i32
    %dma_start3A_38 = arith.constant 0 : i32
    %dma_start3A_39 = tpu.memref_slice %arg2[%dma_start3A_37, %add3A_36, %dma_start3A_38] : memref<4x4096x4096xf32, #tpu.memory_space<hbm>> -> memref<1x2x4096xf32, #tpu.memory_space<hbm>>
    %dma_start3A_40 = tpu.memref_squeeze %dma_start3A_39 : memref<1x2x4096xf32, #tpu.memory_space<hbm>> -> memref<2x4096xf32, #tpu.memory_space<hbm>>
    %dma_start3A_41 = arith.constant 0 : i32
    %dma_start3A_42 = tpu.memref_slice %arg2[%dma_start3A_37, %add3A_36, %dma_start3A_41] : memref<4x4096x4096xf32, #tpu.memory_space<hbm>> -> memref<1x2x4096xf32, #tpu.memory_space<hbm>>
    %dma_start3A_43 = tpu.memref_squeeze %dma_start3A_42 : memref<1x2x4096xf32, #tpu.memory_space<hbm>> -> memref<2x4096xf32, #tpu.memory_space<hbm>>
    tpu.enqueue_dma source(%dma_start3A_43 : memref<2x4096xf32, #tpu.memory_space<hbm>>) target(%arg8 : memref<2x4096xf32, #tpu.memory_space<vmem>>) target_semaphore(%arg18 : memref<!tpu.dma_semaphore, #tpu.memory_space<semaphore_mem>>)
    %scan3A = arith.constant 0 : i32
    %scan3A_44 = arith.constant 0 : i32
    %scan3A_45 = arith.constant 32 : i32
    %scan3A_46 = arith.addi %scan3A_44, %scan3A_45 : i32
    %scan3A_47 = arith.constant 1 : i32
    scf.for %scan3A_84 = %scan3A_44 to %scan3A_46 step %scan3A_47  : i32 {
      %mul3A_85 = arith.constant 2 : i32
      %mul3A_86 = arith.muli %mul3A_85, %scan3A_84 : i32
      %add3A_87 = arith.constant 0 : i32
      %add3A_88 = arith.addi %mul3A_86, %add3A_87 : i32
      %mul3A_89 = arith.constant 2 : i32
      %mul3A_90 = arith.muli %add3A_88, %mul3A_89 : i32
      %add3A_91 = arith.addi %mul3A_2, %mul3A_90 : i32
      %dma_wait3A_92 = arith.constant 0 : i32
      %dma_wait3A_93 = tpu.memref_slice %arg3[%add3A_91, %dma_wait3A_92] : memref<8192x4096xf32, #tpu.memory_space<hbm>> -> memref<2x4096xf32, #tpu.memory_space<hbm>>
      %dma_wait3A_94 = arith.constant 0 : i32
      %dma_wait3A_95 = tpu.memref_slice %arg3[%add3A_91, %dma_wait3A_94] : memref<8192x4096xf32, #tpu.memory_space<hbm>> -> memref<2x4096xf32, #tpu.memory_space<hbm>>
      tpu.wait_dma2 semaphore(%arg31 : memref<!tpu.dma_semaphore, #tpu.memory_space<semaphore_mem>>) src(%dma_wait3A_95 : memref<2x4096xf32, #tpu.memory_space<hbm>>) dst(%arg13 : memref<2x4096xf32, #tpu.memory_space<vmem>>)
      %add3A_96 = arith.constant 1 : i32
      %add3A_97 = arith.addi %add3A_88, %add3A_96 : i32
      %lt3A = arith.constant 64 : i32
      %lt3A_98 = arith.cmpi slt, %add3A_97, %lt3A : i32
      %convert_element_type3A = arith.extui %lt3A_98 : i1 to i32
      %cond3A = arith.constant 0 : i32
      %cond3A_99 = arith.cmpi ne, %convert_element_type3A, %cond3A : i32
      scf.if %cond3A_99 {
        %add3A_452 = arith.constant 1 : i32
        %add3A_453 = arith.addi %add3A_88, %add3A_452 : i32
        %mul3A_454 = arith.constant 2 : i32
        %mul3A_455 = arith.muli %add3A_453, %mul3A_454 : i32
        %add3A_456 = arith.addi %mul3A_2, %mul3A_455 : i32
        %dma_start3A_457 = arith.constant 0 : i32
        %dma_start3A_458 = tpu.memref_slice %arg3[%add3A_456, %dma_start3A_457] : memref<8192x4096xf32, #tpu.memory_space<hbm>> -> memref<2x4096xf32, #tpu.memory_space<hbm>>
        %dma_start3A_459 = arith.constant 0 : i32
        %dma_start3A_460 = tpu.memref_slice %arg3[%add3A_456, %dma_start3A_459] : memref<8192x4096xf32, #tpu.memory_space<hbm>> -> memref<2x4096xf32, #tpu.memory_space<hbm>>
        tpu.enqueue_dma source(%dma_start3A_460 : memref<2x4096xf32, #tpu.memory_space<hbm>>) target(%arg14 : memref<2x4096xf32, #tpu.memory_space<vmem>>) target_semaphore(%arg32 : memref<!tpu.dma_semaphore, #tpu.memory_space<semaphore_mem>>)
      } else {
      }
      %mul3A_100 = arith.constant 8 : i32
      %mul3A_101 = arith.muli %mul3A_100, %scan3A_84 : i32
      %add3A_102 = arith.constant 0 : i32
      %add3A_103 = arith.addi %mul3A_101, %add3A_102 : i32
      %mul3A_104 = arith.constant 2 : i32
      %mul3A_105 = arith.muli %add3A_88, %mul3A_104 : i32
      %add3A_106 = arith.addi %mul3A_2, %mul3A_105 : i32
      %dma_wait3A_107 = arith.constant 0 : i32
      %dma_wait3A_108 = arith.constant 0 : i32
      %dma_wait3A_109 = tpu.memref_slice %arg2[%dma_wait3A_107, %add3A_106, %dma_wait3A_108] : memref<4x4096x4096xf32, #tpu.memory_space<hbm>> -> memref<1x2x4096xf32, #tpu.memory_space<hbm>>
      %dma_wait3A_110 = tpu.memref_squeeze %dma_wait3A_109 : memref<1x2x4096xf32, #tpu.memory_space<hbm>> -> memref<2x4096xf32, #tpu.memory_space<hbm>>
      %dma_wait3A_111 = arith.constant 0 : i32
      %dma_wait3A_112 = tpu.memref_slice %arg2[%dma_wait3A_107, %add3A_106, %dma_wait3A_111] : memref<4x4096x4096xf32, #tpu.memory_space<hbm>> -> memref<1x2x4096xf32, #tpu.memory_space<hbm>>
      %dma_wait3A_113 = tpu.memref_squeeze %dma_wait3A_112 : memref<1x2x4096xf32, #tpu.memory_space<hbm>> -> memref<2x4096xf32, #tpu.memory_space<hbm>>
      tpu.wait_dma2 semaphore(%arg15 : memref<!tpu.dma_semaphore, #tpu.memory_space<semaphore_mem>>) src(%dma_wait3A_113 : memref<2x4096xf32, #tpu.memory_space<hbm>>) dst(%arg5 : memref<2x4096xf32, #tpu.memory_space<vmem>>)
      %parallel_loop3A = arith.constant 0 : i32
      %parallel_loop3A_114 = arith.constant 256 : i32
      %parallel_loop3A_115 = arith.constant 1 : i32
      scf.for %parallel_loop3A_452 = %parallel_loop3A to %parallel_loop3A_114 step %parallel_loop3A_115  : i32 {
        %parallel_loop3A_453 = arith.constant 16 : i32
        %parallel_loop3A_454 = arith.muli %parallel_loop3A_452, %parallel_loop3A_453 : i32
        %parallel_loop3A_455 = arith.constant 0 : i32
        %parallel_loop3A_456 = arith.index_cast %parallel_loop3A_455 : i32 to index
        %parallel_loop3A_457 = arith.index_cast %parallel_loop3A_454 : i32 to index
        %parallel_loop3A_458 = tpu.vector_load %arg13[%parallel_loop3A_456, %parallel_loop3A_457] {strides = array<i32>} : memref<2x4096xf32, #tpu.memory_space<vmem>>, vector<1x16xf32>,
        %parallel_loop3A_459 = vector.shape_cast %parallel_loop3A_458 : vector<1x16xf32> to vector<16xf32>
        %parallel_loop3A_460 = arith.constant 0 : i32
        %parallel_loop3A_461 = arith.index_cast %parallel_loop3A_460 : i32 to index
        %parallel_loop3A_462 = arith.index_cast %parallel_loop3A_454 : i32 to index
        %parallel_loop3A_463 = tpu.vector_load %arg5[%parallel_loop3A_461, %parallel_loop3A_462] {strides = array<i32>} : memref<2x4096xf32, #tpu.memory_space<vmem>>, vector<1x16xf32>,
        %parallel_loop3A_464 = vector.shape_cast %parallel_loop3A_463 : vector<1x16xf32> to vector<16xf32>
        %parallel_loop3A_465 = vector.shape_cast %parallel_loop3A_459 : vector<16xf32> to vector<1x16xf32>
        tpu.vector_store %arg5[%parallel_loop3A_461, %parallel_loop3A_462], %parallel_loop3A_465 {add = true, strides = array<i32>} : memref<2x4096xf32, #tpu.memory_space<vmem>>, vector<1x16xf32>,
        %parallel_loop3A_466 = arith.constant 1 : i32
        %parallel_loop3A_467 = arith.index_cast %parallel_loop3A_466 : i32 to index
        %parallel_loop3A_468 = arith.index_cast %parallel_loop3A_454 : i32 to index
        %parallel_loop3A_469 = tpu.vector_load %arg13[%parallel_loop3A_467, %parallel_loop3A_468] {strides = array<i32>} : memref<2x4096xf32, #tpu.memory_space<vmem>>, vector<1x16xf32>,
        %parallel_loop3A_470 = vector.shape_cast %parallel_loop3A_469 : vector<1x16xf32> to vector<16xf32>
        %parallel_loop3A_471 = arith.constant 1 : i32
        %parallel_loop3A_472 = arith.index_cast %parallel_loop3A_471 : i32 to index
        %parallel_loop3A_473 = arith.index_cast %parallel_loop3A_454 : i32 to index
        %parallel_loop3A_474 = tpu.vector_load %arg5[%parallel_loop3A_472, %parallel_loop3A_473] {strides = array<i32>} : memref<2x4096xf32, #tpu.memory_space<vmem>>, vector<1x16xf32>,
        %parallel_loop3A_475 = vector.shape_cast %parallel_loop3A_474 : vector<1x16xf32> to vector<16xf32>
        %parallel_loop3A_476 = vector.shape_cast %parallel_loop3A_470 : vector<16xf32> to vector<1x16xf32>
        tpu.vector_store %arg5[%parallel_loop3A_472, %parallel_loop3A_473], %parallel_loop3A_476 {add = true, strides = array<i32>} : memref<2x4096xf32, #tpu.memory_space<vmem>>, vector<1x16xf32>,
      } {sc.loop_unroll_factor = 8 : i64, sc.parallel_access}
      %mul3A_116 = arith.constant 2 : i32
      %mul3A_117 = arith.muli %add3A_88, %mul3A_116 : i32
      %add3A_118 = arith.addi %mul3A_2, %mul3A_117 : i32
      %dma_start3A_119 = arith.constant 0 : i32
      %dma_start3A_120 = arith.constant 0 : i32
      %dma_start3A_121 = tpu.memref_slice %arg4[%dma_start3A_119, %add3A_118, %dma_start3A_120] : memref<4x4096x4096xf32, #tpu.memory_space<hbm>> -> memref<1x2x4096xf32, #tpu.memory_space<hbm>>
      %dma_start3A_122 = tpu.memref_squeeze %dma_start3A_121 : memref<1x2x4096xf32, #tpu.memory_space<hbm>> -> memref<2x4096xf32, #tpu.memory_space<hbm>>
      %dma_start3A_123 = arith.constant 0 : i32
      %dma_start3A_124 = tpu.memref_slice %arg4[%dma_start3A_119, %add3A_118, %dma_start3A_123] : memref<4x4096x4096xf32, #tpu.memory_space<hbm>> -> memref<1x2x4096xf32, #tpu.memory_space<hbm>>
      %dma_start3A_125 = tpu.memref_squeeze %dma_start3A_124 : memref<1x2x4096xf32, #tpu.memory_space<hbm>> -> memref<2x4096xf32, #tpu.memory_space<hbm>>
      tpu.enqueue_dma source(%arg5 : memref<2x4096xf32, #tpu.memory_space<vmem>>) target(%dma_start3A_125 : memref<2x4096xf32, #tpu.memory_space<hbm>>) target_semaphore(%arg23 : memref<!tpu.dma_semaphore, #tpu.memory_space<semaphore_mem>>)
      %ge3A = arith.constant 4 : i32
      %ge3A_126 = arith.cmpi sge, %add3A_103, %ge3A : i32
      %convert_element_type3A_127 = arith.extui %ge3A_126 : i1 to i32
      %cond3A_128 = arith.constant 0 : i32
      %cond3A_129 = arith.cmpi ne, %convert_element_type3A_127, %cond3A_128 : i32
      scf.if %cond3A_129 {
        %mul3A_452 = arith.constant 2 : i32
        %mul3A_453 = arith.muli %mul3A_452, %scan3A_84 : i32
        %add3A_454 = arith.constant -1 : i32
        %add3A_455 = arith.addi %mul3A_453, %add3A_454 : i32
        %mul3A_456 = arith.constant 2 : i32
        %mul3A_457 = arith.muli %add3A_455, %mul3A_456 : i32
        %add3A_458 = arith.addi %mul3A_2, %mul3A_457 : i32
        %dma_wait3A_459 = arith.constant 0 : i32
        %dma_wait3A_460 = arith.constant 0 : i32
        %dma_wait3A_461 = tpu.memref_slice %arg4[%dma_wait3A_459, %add3A_458, %dma_wait3A_460] : memref<4x4096x4096xf32, #tpu.memory_space<hbm>> -> memref<1x2x4096xf32, #tpu.memory_space<hbm>>
        %dma_wait3A_462 = tpu.memref_squeeze %dma_wait3A_461 : memref<1x2x4096xf32, #tpu.memory_space<hbm>> -> memref<2x4096xf32, #tpu.memory_space<hbm>>
        %dma_wait3A_463 = arith.constant 0 : i32
        %dma_wait3A_464 = tpu.memref_slice %arg4[%dma_wait3A_459, %add3A_458, %dma_wait3A_463] : memref<4x4096x4096xf32, #tpu.memory_space<hbm>> -> memref<1x2x4096xf32, #tpu.memory_space<hbm>>
        %dma_wait3A_465 = tpu.memref_squeeze %dma_wait3A_464 : memref<1x2x4096xf32, #tpu.memory_space<hbm>> -> memref<2x4096xf32, #tpu.memory_space<hbm>>
        tpu.wait_dma2 semaphore(%arg27 : memref<!tpu.dma_semaphore, #tpu.memory_space<semaphore_mem>>) src(%arg9 : memref<2x4096xf32, #tpu.memory_space<vmem>>) dst(%dma_wait3A_465 : memref<2x4096xf32, #tpu.memory_space<hbm>>)
      } else {
      }
      %add3A_130 = arith.constant 4 : i32
      %add3A_131 = arith.addi %add3A_103, %add3A_130 : i32
      %lt3A_132 = arith.constant 256 : i32
      %lt3A_133 = arith.cmpi slt, %add3A_131, %lt3A_132 : i32
      %convert_element_type3A_134 = arith.extui %lt3A_133 : i1 to i32
      %cond3A_135 = arith.constant 0 : i32
      %cond3A_136 = arith.cmpi ne, %convert_element_type3A_134, %cond3A_135 : i32
      scf.if %cond3A_136 {
        %add3A_452 = arith.constant 4 : i32
        %add3A_453 = arith.addi %add3A_103, %add3A_452 : i32
        %jit3A = arith.constant 4 : i32
        %div3A = arith.divsi %add3A_453, %jit3A : i32
        %sign3A = arith.constant 0 : i32
        %sign3A_454 = arith.cmpi sgt, %add3A_453, %sign3A : i32
        %sign3A_455 = arith.extui %sign3A_454 : i1 to i32
        %sign3A_456 = arith.constant 0 : i32
        %sign3A_457 = arith.cmpi slt, %add3A_453, %sign3A_456 : i32
        %sign3A_458 = arith.extui %sign3A_457 : i1 to i32
        %sign3A_459 = arith.subi %sign3A_455, %sign3A_458 : i32
        %sign3A_460 = arith.constant 0 : i32
        %sign3A_461 = arith.cmpi sgt, %jit3A, %sign3A_460 : i32
        %sign3A_462 = arith.extui %sign3A_461 : i1 to i32
        %sign3A_463 = arith.constant 0 : i32
        %sign3A_464 = arith.cmpi slt, %jit3A, %sign3A_463 : i32
        %sign3A_465 = arith.extui %sign3A_464 : i1 to i32
        %sign3A_466 = arith.subi %sign3A_462, %sign3A_465 : i32
        %ne3A = arith.cmpi ne, %sign3A_459, %sign3A_466 : i32
        %rem3A = arith.remsi %add3A_453, %jit3A : i32
        %ne3A_467 = arith.constant 0 : i32
        %ne3A_468 = arith.cmpi ne, %rem3A, %ne3A_467 : i32
        %and3A = arith.andi %ne3A, %ne3A_468 : i1
        %sub3A = arith.constant 1 : i32
        %sub3A_469 = arith.subi %div3A, %sub3A : i32
        %select_n3A = arith.select %and3A, %sub3A_469, %div3A : i32
        %mul3A_470 = arith.constant 2 : i32
        %mul3A_471 = arith.muli %select_n3A, %mul3A_470 : i32
        %add3A_472 = arith.addi %mul3A_2, %mul3A_471 : i32
        %dma_start3A_473 = arith.constant 0 : i32
        %dma_start3A_474 = arith.constant 0 : i32
        %dma_start3A_475 = tpu.memref_slice %arg2[%dma_start3A_473, %add3A_472, %dma_start3A_474] : memref<4x4096x4096xf32, #tpu.memory_space<hbm>> -> memref<1x2x4096xf32, #tpu.memory_space<hbm>>
        %dma_start3A_476 = tpu.memref_squeeze %dma_start3A_475 : memref<1x2x4096xf32, #tpu.memory_space<hbm>> -> memref<2x4096xf32, #tpu.memory_space<hbm>>
        %dma_start3A_477 = arith.constant 0 : i32
        %dma_start3A_478 = tpu.memref_slice %arg2[%dma_start3A_473, %add3A_472, %dma_start3A_477] : memref<4x4096x4096xf32, #tpu.memory_space<hbm>> -> memref<1x2x4096xf32, #tpu.memory_space<hbm>>
        %dma_start3A_479 = tpu.memref_squeeze %dma_start3A_478 : memref<1x2x4096xf32, #tpu.memory_space<hbm>> -> memref<2x4096xf32, #tpu.memory_space<hbm>>
        tpu.enqueue_dma source(%dma_start3A_479 : memref<2x4096xf32, #tpu.memory_space<hbm>>) target(%arg9 : memref<2x4096xf32, #tpu.memory_space<vmem>>) target_semaphore(%arg19 : memref<!tpu.dma_semaphore, #tpu.memory_space<semaphore_mem>>)
      } else {
      }
      %mul3A_137 = arith.constant 2 : i32
      %mul3A_138 = arith.muli %mul3A_137, %scan3A_84 : i32
      %add3A_139 = arith.constant 0 : i32
      %add3A_140 = arith.addi %mul3A_138, %add3A_139 : i32
      %mul3A_141 = arith.constant 8 : i32
      %mul3A_142 = arith.muli %mul3A_141, %scan3A_84 : i32
      %add3A_143 = arith.constant 1 : i32
      %add3A_144 = arith.addi %mul3A_142, %add3A_143 : i32
      %mul3A_145 = arith.constant 2 : i32
      %mul3A_146 = arith.muli %add3A_140, %mul3A_145 : i32
      %add3A_147 = arith.addi %mul3A_2, %mul3A_146 : i32
      %dma_wait3A_148 = arith.constant 1 : i32
      %dma_wait3A_149 = arith.constant 0 : i32
      %dma_wait3A_150 = tpu.memref_slice %arg2[%dma_wait3A_148, %add3A_147, %dma_wait3A_149] : memref<4x4096x4096xf32, #tpu.memory_space<hbm>> -> memref<1x2x4096xf32, #tpu.memory_space<hbm>>
      %dma_wait3A_151 = tpu.memref_squeeze %dma_wait3A_150 : memref<1x2x4096xf32, #tpu.memory_space<hbm>> -> memref<2x4096xf32, #tpu.memory_space<hbm>>
      %dma_wait3A_152 = arith.constant 0 : i32
      %dma_wait3A_153 = tpu.memref_slice %arg2[%dma_wait3A_148, %add3A_147, %dma_wait3A_152] : memref<4x4096x4096xf32, #tpu.memory_space<hbm>> -> memref<1x2x4096xf32, #tpu.memory_space<hbm>>
      %dma_wait3A_154 = tpu.memref_squeeze %dma_wait3A_153 : memref<1x2x4096xf32, #tpu.memory_space<hbm>> -> memref<2x4096xf32, #tpu.memory_space<hbm>>
      tpu.wait_dma2 semaphore(%arg16 : memref<!tpu.dma_semaphore, #tpu.memory_space<semaphore_mem>>) src(%dma_wait3A_154 : memref<2x4096xf32, #tpu.memory_space<hbm>>) dst(%arg6 : memref<2x4096xf32, #tpu.memory_space<vmem>>)
      %parallel_loop3A_155 = arith.constant 0 : i32
      %parallel_loop3A_156 = arith.constant 256 : i32
      %parallel_loop3A_157 = arith.constant 1 : i32
      scf.for %parallel_loop3A_452 = %parallel_loop3A_155 to %parallel_loop3A_156 step %parallel_loop3A_157  : i32 {
        %parallel_loop3A_453 = arith.constant 16 : i32
        %parallel_loop3A_454 = arith.muli %parallel_loop3A_452, %parallel_loop3A_453 : i32
        %parallel_loop3A_455 = arith.constant 0 : i32
        %parallel_loop3A_456 = arith.index_cast %parallel_loop3A_455 : i32 to index
        %parallel_loop3A_457 = arith.index_cast %parallel_loop3A_454 : i32 to index
        %parallel_loop3A_458 = tpu.vector_load %arg13[%parallel_loop3A_456, %parallel_loop3A_457] {strides = array<i32>} : memref<2x4096xf32, #tpu.memory_space<vmem>>, vector<1x16xf32>,
        %parallel_loop3A_459 = vector.shape_cast %parallel_loop3A_458 : vector<1x16xf32> to vector<16xf32>
        %parallel_loop3A_460 = arith.constant 0 : i32
        %parallel_loop3A_461 = arith.index_cast %parallel_loop3A_460 : i32 to index
        %parallel_loop3A_462 = arith.index_cast %parallel_loop3A_454 : i32 to index
        %parallel_loop3A_463 = tpu.vector_load %arg6[%parallel_loop3A_461, %parallel_loop3A_462] {strides = array<i32>} : memref<2x4096xf32, #tpu.memory_space<vmem>>, vector<1x16xf32>,
        %parallel_loop3A_464 = vector.shape_cast %parallel_loop3A_463 : vector<1x16xf32> to vector<16xf32>
        %parallel_loop3A_465 = vector.shape_cast %parallel_loop3A_459 : vector<16xf32> to vector<1x16xf32>
        tpu.vector_store %arg6[%parallel_loop3A_461, %parallel_loop3A_462], %parallel_loop3A_465 {add = true, strides = array<i32>} : memref<2x4096xf32, #tpu.memory_space<vmem>>, vector<1x16xf32>,
        %parallel_loop3A_466 = arith.constant 1 : i32
        %parallel_loop3A_467 = arith.index_cast %parallel_loop3A_466 : i32 to index
        %parallel_loop3A_468 = arith.index_cast %parallel_loop3A_454 : i32 to index
        %parallel_loop3A_469 = tpu.vector_load %arg13[%parallel_loop3A_467, %parallel_loop3A_468] {strides = array<i32>} : memref<2x4096xf32, #tpu.memory_space<vmem>>, vector<1x16xf32>,
        %parallel_loop3A_470 = vector.shape_cast %parallel_loop3A_469 : vector<1x16xf32> to vector<16xf32>
        %parallel_loop3A_471 = arith.constant 1 : i32
        %parallel_loop3A_472 = arith.index_cast %parallel_loop3A_471 : i32 to index
        %parallel_loop3A_473 = arith.index_cast %parallel_loop3A_454 : i32 to index
        %parallel_loop3A_474 = tpu.vector_load %arg6[%parallel_loop3A_472, %parallel_loop3A_473] {strides = array<i32>} : memref<2x4096xf32, #tpu.memory_space<vmem>>, vector<1x16xf32>,
        %parallel_loop3A_475 = vector.shape_cast %parallel_loop3A_474 : vector<1x16xf32> to vector<16xf32>
        %parallel_loop3A_476 = vector.shape_cast %parallel_loop3A_470 : vector<16xf32> to vector<1x16xf32>
        tpu.vector_store %arg6[%parallel_loop3A_472, %parallel_loop3A_473], %parallel_loop3A_476 {add = true, strides = array<i32>} : memref<2x4096xf32, #tpu.memory_space<vmem>>, vector<1x16xf32>,
      } {sc.loop_unroll_factor = 8 : i64, sc.parallel_access}
      %mul3A_158 = arith.constant 2 : i32
      %mul3A_159 = arith.muli %add3A_140, %mul3A_158 : i32
      %add3A_160 = arith.addi %mul3A_2, %mul3A_159 : i32
      %dma_start3A_161 = arith.constant 1 : i32
      %dma_start3A_162 = arith.constant 0 : i32
      %dma_start3A_163 = tpu.memref_slice %arg4[%dma_start3A_161, %add3A_160, %dma_start3A_162] : memref<4x4096x4096xf32, #tpu.memory_space<hbm>> -> memref<1x2x4096xf32, #tpu.memory_space<hbm>>
      %dma_start3A_164 = tpu.memref_squeeze %dma_start3A_163 : memref<1x2x4096xf32, #tpu.memory_space<hbm>> -> memref<2x4096xf32, #tpu.memory_space<hbm>>
      %dma_start3A_165 = arith.constant 0 : i32
      %dma_start3A_166 = tpu.memref_slice %arg4[%dma_start3A_161, %add3A_160, %dma_start3A_165] : memref<4x4096x4096xf32, #tpu.memory_space<hbm>> -> memref<1x2x4096xf32, #tpu.memory_space<hbm>>
      %dma_start3A_167 = tpu.memref_squeeze %dma_start3A_166 : memref<1x2x4096xf32, #tpu.memory_space<hbm>> -> memref<2x4096xf32, #tpu.memory_space<hbm>>
      tpu.enqueue_dma source(%arg6 : memref<2x4096xf32, #tpu.memory_space<vmem>>) target(%dma_start3A_167 : memref<2x4096xf32, #tpu.memory_space<hbm>>) target_semaphore(%arg24 : memref<!tpu.dma_semaphore, #tpu.memory_space<semaphore_mem>>)
      %ge3A_168 = arith.constant 4 : i32
      %ge3A_169 = arith.cmpi sge, %add3A_144, %ge3A_168 : i32
      %convert_element_type3A_170 = arith.extui %ge3A_169 : i1 to i32
      %cond3A_171 = arith.constant 0 : i32
      %cond3A_172 = arith.cmpi ne, %convert_element_type3A_170, %cond3A_171 : i32
      scf.if %cond3A_172 {
        %mul3A_452 = arith.constant 2 : i32
        %mul3A_453 = arith.muli %mul3A_452, %scan3A_84 : i32
        %add3A_454 = arith.constant -1 : i32
        %add3A_455 = arith.addi %mul3A_453, %add3A_454 : i32
        %mul3A_456 = arith.constant 2 : i32
        %mul3A_457 = arith.muli %add3A_455, %mul3A_456 : i32
        %add3A_458 = arith.addi %mul3A_2, %mul3A_457 : i32
        %dma_wait3A_459 = arith.constant 1 : i32
        %dma_wait3A_460 = arith.constant 0 : i32
        %dma_wait3A_461 = tpu.memref_slice %arg4[%dma_wait3A_459, %add3A_458, %dma_wait3A_460] : memref<4x4096x4096xf32, #tpu.memory_space<hbm>> -> memref<1x2x4096xf32, #tpu.memory_space<hbm>>
        %dma_wait3A_462 = tpu.memref_squeeze %dma_wait3A_461 : memref<1x2x4096xf32, #tpu.memory_space<hbm>> -> memref<2x4096xf32, #tpu.memory_space<hbm>>
        %dma_wait3A_463 = arith.constant 0 : i32
        %dma_wait3A_464 = tpu.memref_slice %arg4[%dma_wait3A_459, %add3A_458, %dma_wait3A_463] : memref<4x4096x4096xf32, #tpu.memory_space<hbm>> -> memref<1x2x4096xf32, #tpu.memory_space<hbm>>
        %dma_wait3A_465 = tpu.memref_squeeze %dma_wait3A_464 : memref<1x2x4096xf32, #tpu.memory_space<hbm>> -> memref<2x4096xf32, #tpu.memory_space<hbm>>
        tpu.wait_dma2 semaphore(%arg28 : memref<!tpu.dma_semaphore, #tpu.memory_space<semaphore_mem>>) src(%arg10 : memref<2x4096xf32, #tpu.memory_space<vmem>>) dst(%dma_wait3A_465 : memref<2x4096xf32, #tpu.memory_space<hbm>>)
      } else {
      }
      %add3A_173 = arith.constant 4 : i32
      %add3A_174 = arith.addi %add3A_144, %add3A_173 : i32
      %lt3A_175 = arith.constant 256 : i32
      %lt3A_176 = arith.cmpi slt, %add3A_174, %lt3A_175 : i32
      %convert_element_type3A_177 = arith.extui %lt3A_176 : i1 to i32
      %cond3A_178 = arith.constant 0 : i32
      %cond3A_179 = arith.cmpi ne, %convert_element_type3A_177, %cond3A_178 : i32
      scf.if %cond3A_179 {
        %add3A_452 = arith.constant 4 : i32
        %add3A_453 = arith.addi %add3A_144, %add3A_452 : i32
        %jit3A = arith.constant 4 : i32
        %div3A = arith.divsi %add3A_453, %jit3A : i32
        %sign3A = arith.constant 0 : i32
        %sign3A_454 = arith.cmpi sgt, %add3A_453, %sign3A : i32
        %sign3A_455 = arith.extui %sign3A_454 : i1 to i32
        %sign3A_456 = arith.constant 0 : i32
        %sign3A_457 = arith.cmpi slt, %add3A_453, %sign3A_456 : i32
        %sign3A_458 = arith.extui %sign3A_457 : i1 to i32
        %sign3A_459 = arith.subi %sign3A_455, %sign3A_458 : i32
        %sign3A_460 = arith.constant 0 : i32
        %sign3A_461 = arith.cmpi sgt, %jit3A, %sign3A_460 : i32
        %sign3A_462 = arith.extui %sign3A_461 : i1 to i32
        %sign3A_463 = arith.constant 0 : i32
        %sign3A_464 = arith.cmpi slt, %jit3A, %sign3A_463 : i32
        %sign3A_465 = arith.extui %sign3A_464 : i1 to i32
        %sign3A_466 = arith.subi %sign3A_462, %sign3A_465 : i32
        %ne3A = arith.cmpi ne, %sign3A_459, %sign3A_466 : i32
        %rem3A = arith.remsi %add3A_453, %jit3A : i32
        %ne3A_467 = arith.constant 0 : i32
        %ne3A_468 = arith.cmpi ne, %rem3A, %ne3A_467 : i32
        %and3A = arith.andi %ne3A, %ne3A_468 : i1
        %sub3A = arith.constant 1 : i32
        %sub3A_469 = arith.subi %div3A, %sub3A : i32
        %select_n3A = arith.select %and3A, %sub3A_469, %div3A : i32
        %mul3A_470 = arith.constant 2 : i32
        %mul3A_471 = arith.muli %select_n3A, %mul3A_470 : i32
        %add3A_472 = arith.addi %mul3A_2, %mul3A_471 : i32
        %dma_start3A_473 = arith.constant 1 : i32
        %dma_start3A_474 = arith.constant 0 : i32
        %dma_start3A_475 = tpu.memref_slice %arg2[%dma_start3A_473, %add3A_472, %dma_start3A_474] : memref<4x4096x4096xf32, #tpu.memory_space<hbm>> -> memref<1x2x4096xf32, #tpu.memory_space<hbm>>
        %dma_start3A_476 = tpu.memref_squeeze %dma_start3A_475 : memref<1x2x4096xf32, #tpu.memory_space<hbm>> -> memref<2x4096xf32, #tpu.memory_space<hbm>>
        %dma_start3A_477 = arith.constant 0 : i32
        %dma_start3A_478 = tpu.memref_slice %arg2[%dma_start3A_473, %add3A_472, %dma_start3A_477] : memref<4x4096x4096xf32, #tpu.memory_space<hbm>> -> memref<1x2x4096xf32, #tpu.memory_space<hbm>>
        %dma_start3A_479 = tpu.memref_squeeze %dma_start3A_478 : memref<1x2x4096xf32, #tpu.memory_space<hbm>> -> memref<2x4096xf32, #tpu.memory_space<hbm>>
        tpu.enqueue_dma source(%dma_start3A_479 : memref<2x4096xf32, #tpu.memory_space<hbm>>) target(%arg10 : memref<2x4096xf32, #tpu.memory_space<vmem>>) target_semaphore(%arg20 : memref<!tpu.dma_semaphore, #tpu.memory_space<semaphore_mem>>)
      } else {
      }
      %mul3A_180 = arith.constant 2 : i32
      %mul3A_181 = arith.muli %mul3A_180, %scan3A_84 : i32
      %add3A_182 = arith.constant 0 : i32
      %add3A_183 = arith.addi %mul3A_181, %add3A_182 : i32
      %mul3A_184 = arith.constant 8 : i32
      %mul3A_185 = arith.muli %mul3A_184, %scan3A_84 : i32
      %add3A_186 = arith.constant 2 : i32
      %add3A_187 = arith.addi %mul3A_185, %add3A_186 : i32
      %mul3A_188 = arith.constant 2 : i32
      %mul3A_189 = arith.muli %add3A_183, %mul3A_188 : i32
      %add3A_190 = arith.addi %mul3A_2, %mul3A_189 : i32
      %dma_wait3A_191 = arith.constant 2 : i32
      %dma_wait3A_192 = arith.constant 0 : i32
      %dma_wait3A_193 = tpu.memref_slice %arg2[%dma_wait3A_191, %add3A_190, %dma_wait3A_192] : memref<4x4096x4096xf32, #tpu.memory_space<hbm>> -> memref<1x2x4096xf32, #tpu.memory_space<hbm>>
      %dma_wait3A_194 = tpu.memref_squeeze %dma_wait3A_193 : memref<1x2x4096xf32, #tpu.memory_space<hbm>> -> memref<2x4096xf32, #tpu.memory_space<hbm>>
      %dma_wait3A_195 = arith.constant 0 : i32
      %dma_wait3A_196 = tpu.memref_slice %arg2[%dma_wait3A_191, %add3A_190, %dma_wait3A_195] : memref<4x4096x4096xf32, #tpu.memory_space<hbm>> -> memref<1x2x4096xf32, #tpu.memory_space<hbm>>
      %dma_wait3A_197 = tpu.memref_squeeze %dma_wait3A_196 : memref<1x2x4096xf32, #tpu.memory_space<hbm>> -> memref<2x4096xf32, #tpu.memory_space<hbm>>
      tpu.wait_dma2 semaphore(%arg17 : memref<!tpu.dma_semaphore, #tpu.memory_space<semaphore_mem>>) src(%dma_wait3A_197 : memref<2x4096xf32, #tpu.memory_space<hbm>>) dst(%arg7 : memref<2x4096xf32, #tpu.memory_space<vmem>>)
      %parallel_loop3A_198 = arith.constant 0 : i32
      %parallel_loop3A_199 = arith.constant 256 : i32
      %parallel_loop3A_200 = arith.constant 1 : i32
      scf.for %parallel_loop3A_452 = %parallel_loop3A_198 to %parallel_loop3A_199 step %parallel_loop3A_200  : i32 {
        %parallel_loop3A_453 = arith.constant 16 : i32
        %parallel_loop3A_454 = arith.muli %parallel_loop3A_452, %parallel_loop3A_453 : i32
        %parallel_loop3A_455 = arith.constant 0 : i32
        %parallel_loop3A_456 = arith.index_cast %parallel_loop3A_455 : i32 to index
        %parallel_loop3A_457 = arith.index_cast %parallel_loop3A_454 : i32 to index
        %parallel_loop3A_458 = tpu.vector_load %arg13[%parallel_loop3A_456, %parallel_loop3A_457] {strides = array<i32>} : memref<2x4096xf32, #tpu.memory_space<vmem>>, vector<1x16xf32>,
        %parallel_loop3A_459 = vector.shape_cast %parallel_loop3A_458 : vector<1x16xf32> to vector<16xf32>
        %parallel_loop3A_460 = arith.constant 0 : i32
        %parallel_loop3A_461 = arith.index_cast %parallel_loop3A_460 : i32 to index
        %parallel_loop3A_462 = arith.index_cast %parallel_loop3A_454 : i32 to index
        %parallel_loop3A_463 = tpu.vector_load %arg7[%parallel_loop3A_461, %parallel_loop3A_462] {strides = array<i32>} : memref<2x4096xf32, #tpu.memory_space<vmem>>, vector<1x16xf32>,
        %parallel_loop3A_464 = vector.shape_cast %parallel_loop3A_463 : vector<1x16xf32> to vector<16xf32>
        %parallel_loop3A_465 = vector.shape_cast %parallel_loop3A_459 : vector<16xf32> to vector<1x16xf32>
        tpu.vector_store %arg7[%parallel_loop3A_461, %parallel_loop3A_462], %parallel_loop3A_465 {add = true, strides = array<i32>} : memref<2x4096xf32, #tpu.memory_space<vmem>>, vector<1x16xf32>,
        %parallel_loop3A_466 = arith.constant 1 : i32
        %parallel_loop3A_467 = arith.index_cast %parallel_loop3A_466 : i32 to index
        %parallel_loop3A_468 = arith.index_cast %parallel_loop3A_454 : i32 to index
        %parallel_loop3A_469 = tpu.vector_load %arg13[%parallel_loop3A_467, %parallel_loop3A_468] {strides = array<i32>} : memref<2x4096xf32, #tpu.memory_space<vmem>>, vector<1x16xf32>,
        %parallel_loop3A_470 = vector.shape_cast %parallel_loop3A_469 : vector<1x16xf32> to vector<16xf32>
        %parallel_loop3A_471 = arith.constant 1 : i32
        %parallel_loop3A_472 = arith.index_cast %parallel_loop3A_471 : i32 to index
        %parallel_loop3A_473 = arith.index_cast %parallel_loop3A_454 : i32 to index
        %parallel_loop3A_474 = tpu.vector_load %arg7[%parallel_loop3A_472, %parallel_loop3A_473] {strides = array<i32>} : memref<2x4096xf32, #tpu.memory_space<vmem>>, vector<1x16xf32>,
        %parallel_loop3A_475 = vector.shape_cast %parallel_loop3A_474 : vector<1x16xf32> to vector<16xf32>
        %parallel_loop3A_476 = vector.shape_cast %parallel_loop3A_470 : vector<16xf32> to vector<1x16xf32>
        tpu.vector_store %arg7[%parallel_loop3A_472, %parallel_loop3A_473], %parallel_loop3A_476 {add = true, strides = array<i32>} : memref<2x4096xf32, #tpu.memory_space<vmem>>, vector<1x16xf32>,
      } {sc.loop_unroll_factor = 8 : i64, sc.parallel_access}
      %mul3A_201 = arith.constant 2 : i32
      %mul3A_202 = arith.muli %add3A_183, %mul3A_201 : i32
      %add3A_203 = arith.addi %mul3A_2, %mul3A_202 : i32
      %dma_start3A_204 = arith.constant 2 : i32
      %dma_start3A_205 = arith.constant 0 : i32
      %dma_start3A_206 = tpu.memref_slice %arg4[%dma_start3A_204, %add3A_203, %dma_start3A_205] : memref<4x4096x4096xf32, #tpu.memory_space<hbm>> -> memref<1x2x4096xf32, #tpu.memory_space<hbm>>
      %dma_start3A_207 = tpu.memref_squeeze %dma_start3A_206 : memref<1x2x4096xf32, #tpu.memory_space<hbm>> -> memref<2x4096xf32, #tpu.memory_space<hbm>>
      %dma_start3A_208 = arith.constant 0 : i32
      %dma_start3A_209 = tpu.memref_slice %arg4[%dma_start3A_204, %add3A_203, %dma_start3A_208] : memref<4x4096x4096xf32, #tpu.memory_space<hbm>> -> memref<1x2x4096xf32, #tpu.memory_space<hbm>>
      %dma_start3A_210 = tpu.memref_squeeze %dma_start3A_209 : memref<1x2x4096xf32, #tpu.memory_space<hbm>> -> memref<2x4096xf32, #tpu.memory_space<hbm>>
      tpu.enqueue_dma source(%arg7 : memref<2x4096xf32, #tpu.memory_space<vmem>>) target(%dma_start3A_210 : memref<2x4096xf32, #tpu.memory_space<hbm>>) target_semaphore(%arg25 : memref<!tpu.dma_semaphore, #tpu.memory_space<semaphore_mem>>)
      %ge3A_211 = arith.constant 4 : i32
      %ge3A_212 = arith.cmpi sge, %add3A_187, %ge3A_211 : i32
      %convert_element_type3A_213 = arith.extui %ge3A_212 : i1 to i32
      %cond3A_214 = arith.constant 0 : i32
      %cond3A_215 = arith.cmpi ne, %convert_element_type3A_213, %cond3A_214 : i32
      scf.if %cond3A_215 {
        %mul3A_452 = arith.constant 2 : i32
        %mul3A_453 = arith.muli %mul3A_452, %scan3A_84 : i32
        %add3A_454 = arith.constant -1 : i32
        %add3A_455 = arith.addi %mul3A_453, %add3A_454 : i32
        %mul3A_456 = arith.constant 2 : i32
        %mul3A_457 = arith.muli %add3A_455, %mul3A_456 : i32
        %add3A_458 = arith.addi %mul3A_2, %mul3A_457 : i32
        %dma_wait3A_459 = arith.constant 2 : i32
        %dma_wait3A_460 = arith.constant 0 : i32
        %dma_wait3A_461 = tpu.memref_slice %arg4[%dma_wait3A_459, %add3A_458, %dma_wait3A_460] : memref<4x4096x4096xf32, #tpu.memory_space<hbm>> -> memref<1x2x4096xf32, #tpu.memory_space<hbm>>
        %dma_wait3A_462 = tpu.memref_squeeze %dma_wait3A_461 : memref<1x2x4096xf32, #tpu.memory_space<hbm>> -> memref<2x4096xf32, #tpu.memory_space<hbm>>
        %dma_wait3A_463 = arith.constant 0 : i32
        %dma_wait3A_464 = tpu.memref_slice %arg4[%dma_wait3A_459, %add3A_458, %dma_wait3A_463] : memref<4x4096x4096xf32, #tpu.memory_space<hbm>> -> memref<1x2x4096xf32, #tpu.memory_space<hbm>>
        %dma_wait3A_465 = tpu.memref_squeeze %dma_wait3A_464 : memref<1x2x4096xf32, #tpu.memory_space<hbm>> -> memref<2x4096xf32, #tpu.memory_space<hbm>>
        tpu.wait_dma2 semaphore(%arg29 : memref<!tpu.dma_semaphore, #tpu.memory_space<semaphore_mem>>) src(%arg11 : memref<2x4096xf32, #tpu.memory_space<vmem>>) dst(%dma_wait3A_465 : memref<2x4096xf32, #tpu.memory_space<hbm>>)
      } else {
      }
      %add3A_216 = arith.constant 4 : i32
      %add3A_217 = arith.addi %add3A_187, %add3A_216 : i32
      %lt3A_218 = arith.constant 256 : i32
      %lt3A_219 = arith.cmpi slt, %add3A_217, %lt3A_218 : i32
      %convert_element_type3A_220 = arith.extui %lt3A_219 : i1 to i32
      %cond3A_221 = arith.constant 0 : i32
      %cond3A_222 = arith.cmpi ne, %convert_element_type3A_220, %cond3A_221 : i32
      scf.if %cond3A_222 {
        %add3A_452 = arith.constant 4 : i32
        %add3A_453 = arith.addi %add3A_187, %add3A_452 : i32
        %jit3A = arith.constant 4 : i32
        %div3A = arith.divsi %add3A_453, %jit3A : i32
        %sign3A = arith.constant 0 : i32
        %sign3A_454 = arith.cmpi sgt, %add3A_453, %sign3A : i32
        %sign3A_455 = arith.extui %sign3A_454 : i1 to i32
        %sign3A_456 = arith.constant 0 : i32
        %sign3A_457 = arith.cmpi slt, %add3A_453, %sign3A_456 : i32
        %sign3A_458 = arith.extui %sign3A_457 : i1 to i32
        %sign3A_459 = arith.subi %sign3A_455, %sign3A_458 : i32
        %sign3A_460 = arith.constant 0 : i32
        %sign3A_461 = arith.cmpi sgt, %jit3A, %sign3A_460 : i32
        %sign3A_462 = arith.extui %sign3A_461 : i1 to i32
        %sign3A_463 = arith.constant 0 : i32
        %sign3A_464 = arith.cmpi slt, %jit3A, %sign3A_463 : i32
        %sign3A_465 = arith.extui %sign3A_464 : i1 to i32
        %sign3A_466 = arith.subi %sign3A_462, %sign3A_465 : i32
        %ne3A = arith.cmpi ne, %sign3A_459, %sign3A_466 : i32
        %rem3A = arith.remsi %add3A_453, %jit3A : i32
        %ne3A_467 = arith.constant 0 : i32
        %ne3A_468 = arith.cmpi ne, %rem3A, %ne3A_467 : i32
        %and3A = arith.andi %ne3A, %ne3A_468 : i1
        %sub3A = arith.constant 1 : i32
        %sub3A_469 = arith.subi %div3A, %sub3A : i32
        %select_n3A = arith.select %and3A, %sub3A_469, %div3A : i32
        %mul3A_470 = arith.constant 2 : i32
        %mul3A_471 = arith.muli %select_n3A, %mul3A_470 : i32
        %add3A_472 = arith.addi %mul3A_2, %mul3A_471 : i32
        %dma_start3A_473 = arith.constant 2 : i32
        %dma_start3A_474 = arith.constant 0 : i32
        %dma_start3A_475 = tpu.memref_slice %arg2[%dma_start3A_473, %add3A_472, %dma_start3A_474] : memref<4x4096x4096xf32, #tpu.memory_space<hbm>> -> memref<1x2x4096xf32, #tpu.memory_space<hbm>>
        %dma_start3A_476 = tpu.memref_squeeze %dma_start3A_475 : memref<1x2x4096xf32, #tpu.memory_space<hbm>> -> memref<2x4096xf32, #tpu.memory_space<hbm>>
        %dma_start3A_477 = arith.constant 0 : i32
        %dma_start3A_478 = tpu.memref_slice %arg2[%dma_start3A_473, %add3A_472, %dma_start3A_477] : memref<4x4096x4096xf32, #tpu.memory_space<hbm>> -> memref<1x2x4096xf32, #tpu.memory_space<hbm>>
        %dma_start3A_479 = tpu.memref_squeeze %dma_start3A_478 : memref<1x2x4096xf32, #tpu.memory_space<hbm>> -> memref<2x4096xf32, #tpu.memory_space<hbm>>
        tpu.enqueue_dma source(%dma_start3A_479 : memref<2x4096xf32, #tpu.memory_space<hbm>>) target(%arg11 : memref<2x4096xf32, #tpu.memory_space<vmem>>) target_semaphore(%arg21 : memref<!tpu.dma_semaphore, #tpu.memory_space<semaphore_mem>>)
      } else {
      }
      %mul3A_223 = arith.constant 2 : i32
      %mul3A_224 = arith.muli %mul3A_223, %scan3A_84 : i32
      %add3A_225 = arith.constant 0 : i32
      %add3A_226 = arith.addi %mul3A_224, %add3A_225 : i32
      %mul3A_227 = arith.constant 8 : i32
      %mul3A_228 = arith.muli %mul3A_227, %scan3A_84 : i32
      %add3A_229 = arith.constant 3 : i32
      %add3A_230 = arith.addi %mul3A_228, %add3A_229 : i32
      %mul3A_231 = arith.constant 2 : i32
      %mul3A_232 = arith.muli %add3A_226, %mul3A_231 : i32
      %add3A_233 = arith.addi %mul3A_2, %mul3A_232 : i32
      %dma_wait3A_234 = arith.constant 3 : i32
      %dma_wait3A_235 = arith.constant 0 : i32
      %dma_wait3A_236 = tpu.memref_slice %arg2[%dma_wait3A_234, %add3A_233, %dma_wait3A_235] : memref<4x4096x4096xf32, #tpu.memory_space<hbm>> -> memref<1x2x4096xf32, #tpu.memory_space<hbm>>
      %dma_wait3A_237 = tpu.memref_squeeze %dma_wait3A_236 : memref<1x2x4096xf32, #tpu.memory_space<hbm>> -> memref<2x4096xf32, #tpu.memory_space<hbm>>
      %dma_wait3A_238 = arith.constant 0 : i32
      %dma_wait3A_239 = tpu.memref_slice %arg2[%dma_wait3A_234, %add3A_233, %dma_wait3A_238] : memref<4x4096x4096xf32, #tpu.memory_space<hbm>> -> memref<1x2x4096xf32, #tpu.memory_space<hbm>>
      %dma_wait3A_240 = tpu.memref_squeeze %dma_wait3A_239 : memref<1x2x4096xf32, #tpu.memory_space<hbm>> -> memref<2x4096xf32, #tpu.memory_space<hbm>>
      tpu.wait_dma2 semaphore(%arg18 : memref<!tpu.dma_semaphore, #tpu.memory_space<semaphore_mem>>) src(%dma_wait3A_240 : memref<2x4096xf32, #tpu.memory_space<hbm>>) dst(%arg8 : memref<2x4096xf32, #tpu.memory_space<vmem>>)
      %parallel_loop3A_241 = arith.constant 0 : i32
      %parallel_loop3A_242 = arith.constant 256 : i32
      %parallel_loop3A_243 = arith.constant 1 : i32
      scf.for %parallel_loop3A_452 = %parallel_loop3A_241 to %parallel_loop3A_242 step %parallel_loop3A_243  : i32 {
        %parallel_loop3A_453 = arith.constant 16 : i32
        %parallel_loop3A_454 = arith.muli %parallel_loop3A_452, %parallel_loop3A_453 : i32
        %parallel_loop3A_455 = arith.constant 0 : i32
        %parallel_loop3A_456 = arith.index_cast %parallel_loop3A_455 : i32 to index
        %parallel_loop3A_457 = arith.index_cast %parallel_loop3A_454 : i32 to index
        %parallel_loop3A_458 = tpu.vector_load %arg13[%parallel_loop3A_456, %parallel_loop3A_457] {strides = array<i32>} : memref<2x4096xf32, #tpu.memory_space<vmem>>, vector<1x16xf32>,
        %parallel_loop3A_459 = vector.shape_cast %parallel_loop3A_458 : vector<1x16xf32> to vector<16xf32>
        %parallel_loop3A_460 = arith.constant 0 : i32
        %parallel_loop3A_461 = arith.index_cast %parallel_loop3A_460 : i32 to index
        %parallel_loop3A_462 = arith.index_cast %parallel_loop3A_454 : i32 to index
        %parallel_loop3A_463 = tpu.vector_load %arg8[%parallel_loop3A_461, %parallel_loop3A_462] {strides = array<i32>} : memref<2x4096xf32, #tpu.memory_space<vmem>>, vector<1x16xf32>,
        %parallel_loop3A_464 = vector.shape_cast %parallel_loop3A_463 : vector<1x16xf32> to vector<16xf32>
        %parallel_loop3A_465 = vector.shape_cast %parallel_loop3A_459 : vector<16xf32> to vector<1x16xf32>
        tpu.vector_store %arg8[%parallel_loop3A_461, %parallel_loop3A_462], %parallel_loop3A_465 {add = true, strides = array<i32>} : memref<2x4096xf32, #tpu.memory_space<vmem>>, vector<1x16xf32>,
        %parallel_loop3A_466 = arith.constant 1 : i32
        %parallel_loop3A_467 = arith.index_cast %parallel_loop3A_466 : i32 to index
        %parallel_loop3A_468 = arith.index_cast %parallel_loop3A_454 : i32 to index
        %parallel_loop3A_469 = tpu.vector_load %arg13[%parallel_loop3A_467, %parallel_loop3A_468] {strides = array<i32>} : memref<2x4096xf32, #tpu.memory_space<vmem>>, vector<1x16xf32>,
        %parallel_loop3A_470 = vector.shape_cast %parallel_loop3A_469 : vector<1x16xf32> to vector<16xf32>
        %parallel_loop3A_471 = arith.constant 1 : i32
        %parallel_loop3A_472 = arith.index_cast %parallel_loop3A_471 : i32 to index
        %parallel_loop3A_473 = arith.index_cast %parallel_loop3A_454 : i32 to index
        %parallel_loop3A_474 = tpu.vector_load %arg8[%parallel_loop3A_472, %parallel_loop3A_473] {strides = array<i32>} : memref<2x4096xf32, #tpu.memory_space<vmem>>, vector<1x16xf32>,
        %parallel_loop3A_475 = vector.shape_cast %parallel_loop3A_474 : vector<1x16xf32> to vector<16xf32>
        %parallel_loop3A_476 = vector.shape_cast %parallel_loop3A_470 : vector<16xf32> to vector<1x16xf32>
        tpu.vector_store %arg8[%parallel_loop3A_472, %parallel_loop3A_473], %parallel_loop3A_476 {add = true, strides = array<i32>} : memref<2x4096xf32, #tpu.memory_space<vmem>>, vector<1x16xf32>,
      } {sc.loop_unroll_factor = 8 : i64, sc.parallel_access}
      %mul3A_244 = arith.constant 2 : i32
      %mul3A_245 = arith.muli %add3A_226, %mul3A_244 : i32
      %add3A_246 = arith.addi %mul3A_2, %mul3A_245 : i32
      %dma_start3A_247 = arith.constant 3 : i32
      %dma_start3A_248 = arith.constant 0 : i32
      %dma_start3A_249 = tpu.memref_slice %arg4[%dma_start3A_247, %add3A_246, %dma_start3A_248] : memref<4x4096x4096xf32, #tpu.memory_space<hbm>> -> memref<1x2x4096xf32, #tpu.memory_space<hbm>>
      %dma_start3A_250 = tpu.memref_squeeze %dma_start3A_249 : memref<1x2x4096xf32, #tpu.memory_space<hbm>> -> memref<2x4096xf32, #tpu.memory_space<hbm>>
      %dma_start3A_251 = arith.constant 0 : i32
      %dma_start3A_252 = tpu.memref_slice %arg4[%dma_start3A_247, %add3A_246, %dma_start3A_251] : memref<4x4096x4096xf32, #tpu.memory_space<hbm>> -> memref<1x2x4096xf32, #tpu.memory_space<hbm>>
      %dma_start3A_253 = tpu.memref_squeeze %dma_start3A_252 : memref<1x2x4096xf32, #tpu.memory_space<hbm>> -> memref<2x4096xf32, #tpu.memory_space<hbm>>
      tpu.enqueue_dma source(%arg8 : memref<2x4096xf32, #tpu.memory_space<vmem>>) target(%dma_start3A_253 : memref<2x4096xf32, #tpu.memory_space<hbm>>) target_semaphore(%arg26 : memref<!tpu.dma_semaphore, #tpu.memory_space<semaphore_mem>>)
      %ge3A_254 = arith.constant 4 : i32
      %ge3A_255 = arith.cmpi sge, %add3A_230, %ge3A_254 : i32
      %convert_element_type3A_256 = arith.extui %ge3A_255 : i1 to i32
      %cond3A_257 = arith.constant 0 : i32
      %cond3A_258 = arith.cmpi ne, %convert_element_type3A_256, %cond3A_257 : i32
      scf.if %cond3A_258 {
        %mul3A_452 = arith.constant 2 : i32
        %mul3A_453 = arith.muli %mul3A_452, %scan3A_84 : i32
        %add3A_454 = arith.constant -1 : i32
        %add3A_455 = arith.addi %mul3A_453, %add3A_454 : i32
        %mul3A_456 = arith.constant 2 : i32
        %mul3A_457 = arith.muli %add3A_455, %mul3A_456 : i32
        %add3A_458 = arith.addi %mul3A_2, %mul3A_457 : i32
        %dma_wait3A_459 = arith.constant 3 : i32
        %dma_wait3A_460 = arith.constant 0 : i32
        %dma_wait3A_461 = tpu.memref_slice %arg4[%dma_wait3A_459, %add3A_458, %dma_wait3A_460] : memref<4x4096x4096xf32, #tpu.memory_space<hbm>> -> memref<1x2x4096xf32, #tpu.memory_space<hbm>>
        %dma_wait3A_462 = tpu.memref_squeeze %dma_wait3A_461 : memref<1x2x4096xf32, #tpu.memory_space<hbm>> -> memref<2x4096xf32, #tpu.memory_space<hbm>>
        %dma_wait3A_463 = arith.constant 0 : i32
        %dma_wait3A_464 = tpu.memref_slice %arg4[%dma_wait3A_459, %add3A_458, %dma_wait3A_463] : memref<4x4096x4096xf32, #tpu.memory_space<hbm>> -> memref<1x2x4096xf32, #tpu.memory_space<hbm>>
        %dma_wait3A_465 = tpu.memref_squeeze %dma_wait3A_464 : memref<1x2x4096xf32, #tpu.memory_space<hbm>> -> memref<2x4096xf32, #tpu.memory_space<hbm>>
        tpu.wait_dma2 semaphore(%arg30 : memref<!tpu.dma_semaphore, #tpu.memory_space<semaphore_mem>>) src(%arg12 : memref<2x4096xf32, #tpu.memory_space<vmem>>) dst(%dma_wait3A_465 : memref<2x4096xf32, #tpu.memory_space<hbm>>)
      } else {
      }
      %add3A_259 = arith.constant 4 : i32
      %add3A_260 = arith.addi %add3A_230, %add3A_259 : i32
      %lt3A_261 = arith.constant 256 : i32
      %lt3A_262 = arith.cmpi slt, %add3A_260, %lt3A_261 : i32
      %convert_element_type3A_263 = arith.extui %lt3A_262 : i1 to i32
      %cond3A_264 = arith.constant 0 : i32
      %cond3A_265 = arith.cmpi ne, %convert_element_type3A_263, %cond3A_264 : i32
      scf.if %cond3A_265 {
        %add3A_452 = arith.constant 4 : i32
        %add3A_453 = arith.addi %add3A_230, %add3A_452 : i32
        %jit3A = arith.constant 4 : i32
        %div3A = arith.divsi %add3A_453, %jit3A : i32
        %sign3A = arith.constant 0 : i32
        %sign3A_454 = arith.cmpi sgt, %add3A_453, %sign3A : i32
        %sign3A_455 = arith.extui %sign3A_454 : i1 to i32
        %sign3A_456 = arith.constant 0 : i32
        %sign3A_457 = arith.cmpi slt, %add3A_453, %sign3A_456 : i32
        %sign3A_458 = arith.extui %sign3A_457 : i1 to i32
        %sign3A_459 = arith.subi %sign3A_455, %sign3A_458 : i32
        %sign3A_460 = arith.constant 0 : i32
        %sign3A_461 = arith.cmpi sgt, %jit3A, %sign3A_460 : i32
        %sign3A_462 = arith.extui %sign3A_461 : i1 to i32
        %sign3A_463 = arith.constant 0 : i32
        %sign3A_464 = arith.cmpi slt, %jit3A, %sign3A_463 : i32
        %sign3A_465 = arith.extui %sign3A_464 : i1 to i32
        %sign3A_466 = arith.subi %sign3A_462, %sign3A_465 : i32
        %ne3A = arith.cmpi ne, %sign3A_459, %sign3A_466 : i32
        %rem3A = arith.remsi %add3A_453, %jit3A : i32
        %ne3A_467 = arith.constant 0 : i32
        %ne3A_468 = arith.cmpi ne, %rem3A, %ne3A_467 : i32
        %and3A = arith.andi %ne3A, %ne3A_468 : i1
        %sub3A = arith.constant 1 : i32
        %sub3A_469 = arith.subi %div3A, %sub3A : i32
        %select_n3A = arith.select %and3A, %sub3A_469, %div3A : i32
        %mul3A_470 = arith.constant 2 : i32
        %mul3A_471 = arith.muli %select_n3A, %mul3A_470 : i32
        %add3A_472 = arith.addi %mul3A_2, %mul3A_471 : i32
        %dma_start3A_473 = arith.constant 3 : i32
        %dma_start3A_474 = arith.constant 0 : i32
        %dma_start3A_475 = tpu.memref_slice %arg2[%dma_start3A_473, %add3A_472, %dma_start3A_474] : memref<4x4096x4096xf32, #tpu.memory_space<hbm>> -> memref<1x2x4096xf32, #tpu.memory_space<hbm>>
        %dma_start3A_476 = tpu.memref_squeeze %dma_start3A_475 : memref<1x2x4096xf32, #tpu.memory_space<hbm>> -> memref<2x4096xf32, #tpu.memory_space<hbm>>
        %dma_start3A_477 = arith.constant 0 : i32
        %dma_start3A_478 = tpu.memref_slice %arg2[%dma_start3A_473, %add3A_472, %dma_start3A_477] : memref<4x4096x4096xf32, #tpu.memory_space<hbm>> -> memref<1x2x4096xf32, #tpu.memory_space<hbm>>
        %dma_start3A_479 = tpu.memref_squeeze %dma_start3A_478 : memref<1x2x4096xf32, #tpu.memory_space<hbm>> -> memref<2x4096xf32, #tpu.memory_space<hbm>>
        tpu.enqueue_dma source(%dma_start3A_479 : memref<2x4096xf32, #tpu.memory_space<hbm>>) target(%arg12 : memref<2x4096xf32, #tpu.memory_space<vmem>>) target_semaphore(%arg22 : memref<!tpu.dma_semaphore, #tpu.memory_space<semaphore_mem>>)
      } else {
      }
      %mul3A_266 = arith.constant 2 : i32
      %mul3A_267 = arith.muli %mul3A_266, %scan3A_84 : i32
      %add3A_268 = arith.constant 1 : i32
      %add3A_269 = arith.addi %mul3A_267, %add3A_268 : i32
      %mul3A_270 = arith.constant 2 : i32
      %mul3A_271 = arith.muli %add3A_269, %mul3A_270 : i32
      %add3A_272 = arith.addi %mul3A_2, %mul3A_271 : i32
      %dma_wait3A_273 = arith.constant 0 : i32
      %dma_wait3A_274 = tpu.memref_slice %arg3[%add3A_272, %dma_wait3A_273] : memref<8192x4096xf32, #tpu.memory_space<hbm>> -> memref<2x4096xf32, #tpu.memory_space<hbm>>
      %dma_wait3A_275 = arith.constant 0 : i32
      %dma_wait3A_276 = tpu.memref_slice %arg3[%add3A_272, %dma_wait3A_275] : memref<8192x4096xf32, #tpu.memory_space<hbm>> -> memref<2x4096xf32, #tpu.memory_space<hbm>>
      tpu.wait_dma2 semaphore(%arg32 : memref<!tpu.dma_semaphore, #tpu.memory_space<semaphore_mem>>) src(%dma_wait3A_276 : memref<2x4096xf32, #tpu.memory_space<hbm>>) dst(%arg14 : memref<2x4096xf32, #tpu.memory_space<vmem>>)
      %add3A_277 = arith.constant 1 : i32
      %add3A_278 = arith.addi %add3A_269, %add3A_277 : i32
      %lt3A_279 = arith.constant 64 : i32
      %lt3A_280 = arith.cmpi slt, %add3A_278, %lt3A_279 : i32
      %convert_element_type3A_281 = arith.extui %lt3A_280 : i1 to i32
      %cond3A_282 = arith.constant 0 : i32
      %cond3A_283 = arith.cmpi ne, %convert_element_type3A_281, %cond3A_282 : i32
      scf.if %cond3A_283 {
        %add3A_452 = arith.constant 1 : i32
        %add3A_453 = arith.addi %add3A_269, %add3A_452 : i32
        %mul3A_454 = arith.constant 2 : i32
        %mul3A_455 = arith.muli %add3A_453, %mul3A_454 : i32
        %add3A_456 = arith.addi %mul3A_2, %mul3A_455 : i32
        %dma_start3A_457 = arith.constant 0 : i32
        %dma_start3A_458 = tpu.memref_slice %arg3[%add3A_456, %dma_start3A_457] : memref<8192x4096xf32, #tpu.memory_space<hbm>> -> memref<2x4096xf32, #tpu.memory_space<hbm>>
        %dma_start3A_459 = arith.constant 0 : i32
        %dma_start3A_460 = tpu.memref_slice %arg3[%add3A_456, %dma_start3A_459] : memref<8192x4096xf32, #tpu.memory_space<hbm>> -> memref<2x4096xf32, #tpu.memory_space<hbm>>
        tpu.enqueue_dma source(%dma_start3A_460 : memref<2x4096xf32, #tpu.memory_space<hbm>>) target(%arg13 : memref<2x4096xf32, #tpu.memory_space<vmem>>) target_semaphore(%arg31 : memref<!tpu.dma_semaphore, #tpu.memory_space<semaphore_mem>>)
      } else {
      }
      %mul3A_284 = arith.constant 8 : i32
      %mul3A_285 = arith.muli %mul3A_284, %scan3A_84 : i32
      %add3A_286 = arith.constant 4 : i32
      %add3A_287 = arith.addi %mul3A_285, %add3A_286 : i32
      %mul3A_288 = arith.constant 2 : i32
      %mul3A_289 = arith.muli %add3A_269, %mul3A_288 : i32
      %add3A_290 = arith.addi %mul3A_2, %mul3A_289 : i32
      %dma_wait3A_291 = arith.constant 0 : i32
      %dma_wait3A_292 = arith.constant 0 : i32
      %dma_wait3A_293 = tpu.memref_slice %arg2[%dma_wait3A_291, %add3A_290, %dma_wait3A_292] : memref<4x4096x4096xf32, #tpu.memory_space<hbm>> -> memref<1x2x4096xf32, #tpu.memory_space<hbm>>
      %dma_wait3A_294 = tpu.memref_squeeze %dma_wait3A_293 : memref<1x2x4096xf32, #tpu.memory_space<hbm>> -> memref<2x4096xf32, #tpu.memory_space<hbm>>
      %dma_wait3A_295 = arith.constant 0 : i32
      %dma_wait3A_296 = tpu.memref_slice %arg2[%dma_wait3A_291, %add3A_290, %dma_wait3A_295] : memref<4x4096x4096xf32, #tpu.memory_space<hbm>> -> memref<1x2x4096xf32, #tpu.memory_space<hbm>>
      %dma_wait3A_297 = tpu.memref_squeeze %dma_wait3A_296 : memref<1x2x4096xf32, #tpu.memory_space<hbm>> -> memref<2x4096xf32, #tpu.memory_space<hbm>>
      tpu.wait_dma2 semaphore(%arg19 : memref<!tpu.dma_semaphore, #tpu.memory_space<semaphore_mem>>) src(%dma_wait3A_297 : memref<2x4096xf32, #tpu.memory_space<hbm>>) dst(%arg9 : memref<2x4096xf32, #tpu.memory_space<vmem>>)
      %parallel_loop3A_298 = arith.constant 0 : i32
      %parallel_loop3A_299 = arith.constant 256 : i32
      %parallel_loop3A_300 = arith.constant 1 : i32
      scf.for %parallel_loop3A_452 = %parallel_loop3A_298 to %parallel_loop3A_299 step %parallel_loop3A_300  : i32 {
        %parallel_loop3A_453 = arith.constant 16 : i32
        %parallel_loop3A_454 = arith.muli %parallel_loop3A_452, %parallel_loop3A_453 : i32
        %parallel_loop3A_455 = arith.constant 0 : i32
        %parallel_loop3A_456 = arith.index_cast %parallel_loop3A_455 : i32 to index
        %parallel_loop3A_457 = arith.index_cast %parallel_loop3A_454 : i32 to index
        %parallel_loop3A_458 = tpu.vector_load %arg14[%parallel_loop3A_456, %parallel_loop3A_457] {strides = array<i32>} : memref<2x4096xf32, #tpu.memory_space<vmem>>, vector<1x16xf32>,
        %parallel_loop3A_459 = vector.shape_cast %parallel_loop3A_458 : vector<1x16xf32> to vector<16xf32>
        %parallel_loop3A_460 = arith.constant 0 : i32
        %parallel_loop3A_461 = arith.index_cast %parallel_loop3A_460 : i32 to index
        %parallel_loop3A_462 = arith.index_cast %parallel_loop3A_454 : i32 to index
        %parallel_loop3A_463 = tpu.vector_load %arg9[%parallel_loop3A_461, %parallel_loop3A_462] {strides = array<i32>} : memref<2x4096xf32, #tpu.memory_space<vmem>>, vector<1x16xf32>,
        %parallel_loop3A_464 = vector.shape_cast %parallel_loop3A_463 : vector<1x16xf32> to vector<16xf32>
        %parallel_loop3A_465 = vector.shape_cast %parallel_loop3A_459 : vector<16xf32> to vector<1x16xf32>
        tpu.vector_store %arg9[%parallel_loop3A_461, %parallel_loop3A_462], %parallel_loop3A_465 {add = true, strides = array<i32>} : memref<2x4096xf32, #tpu.memory_space<vmem>>, vector<1x16xf32>,
        %parallel_loop3A_466 = arith.constant 1 : i32
        %parallel_loop3A_467 = arith.index_cast %parallel_loop3A_466 : i32 to index
        %parallel_loop3A_468 = arith.index_cast %parallel_loop3A_454 : i32 to index
        %parallel_loop3A_469 = tpu.vector_load %arg14[%parallel_loop3A_467, %parallel_loop3A_468] {strides = array<i32>} : memref<2x4096xf32, #tpu.memory_space<vmem>>, vector<1x16xf32>,
        %parallel_loop3A_470 = vector.shape_cast %parallel_loop3A_469 : vector<1x16xf32> to vector<16xf32>
        %parallel_loop3A_471 = arith.constant 1 : i32
        %parallel_loop3A_472 = arith.index_cast %parallel_loop3A_471 : i32 to index
        %parallel_loop3A_473 = arith.index_cast %parallel_loop3A_454 : i32 to index
        %parallel_loop3A_474 = tpu.vector_load %arg9[%parallel_loop3A_472, %parallel_loop3A_473] {strides = array<i32>} : memref<2x4096xf32, #tpu.memory_space<vmem>>, vector<1x16xf32>,
        %parallel_loop3A_475 = vector.shape_cast %parallel_loop3A_474 : vector<1x16xf32> to vector<16xf32>
        %parallel_loop3A_476 = vector.shape_cast %parallel_loop3A_470 : vector<16xf32> to vector<1x16xf32>
        tpu.vector_store %arg9[%parallel_loop3A_472, %parallel_loop3A_473], %parallel_loop3A_476 {add = true, strides = array<i32>} : memref<2x4096xf32, #tpu.memory_space<vmem>>, vector<1x16xf32>,
      } {sc.loop_unroll_factor = 8 : i64, sc.parallel_access}
      %mul3A_301 = arith.constant 2 : i32
      %mul3A_302 = arith.muli %add3A_269, %mul3A_301 : i32
      %add3A_303 = arith.addi %mul3A_2, %mul3A_302 : i32
      %dma_start3A_304 = arith.constant 0 : i32
      %dma_start3A_305 = arith.constant 0 : i32
      %dma_start3A_306 = tpu.memref_slice %arg4[%dma_start3A_304, %add3A_303, %dma_start3A_305] : memref<4x4096x4096xf32, #tpu.memory_space<hbm>> -> memref<1x2x4096xf32, #tpu.memory_space<hbm>>
      %dma_start3A_307 = tpu.memref_squeeze %dma_start3A_306 : memref<1x2x4096xf32, #tpu.memory_space<hbm>> -> memref<2x4096xf32, #tpu.memory_space<hbm>>
      %dma_start3A_308 = arith.constant 0 : i32
      %dma_start3A_309 = tpu.memref_slice %arg4[%dma_start3A_304, %add3A_303, %dma_start3A_308] : memref<4x4096x4096xf32, #tpu.memory_space<hbm>> -> memref<1x2x4096xf32, #tpu.memory_space<hbm>>
      %dma_start3A_310 = tpu.memref_squeeze %dma_start3A_309 : memref<1x2x4096xf32, #tpu.memory_space<hbm>> -> memref<2x4096xf32, #tpu.memory_space<hbm>>
      tpu.enqueue_dma source(%arg9 : memref<2x4096xf32, #tpu.memory_space<vmem>>) target(%dma_start3A_310 : memref<2x4096xf32, #tpu.memory_space<hbm>>) target_semaphore(%arg27 : memref<!tpu.dma_semaphore, #tpu.memory_space<semaphore_mem>>)
      %ge3A_311 = arith.constant 4 : i32
      %ge3A_312 = arith.cmpi sge, %add3A_287, %ge3A_311 : i32
      %convert_element_type3A_313 = arith.extui %ge3A_312 : i1 to i32
      %cond3A_314 = arith.constant 0 : i32
      %cond3A_315 = arith.cmpi ne, %convert_element_type3A_313, %cond3A_314 : i32
      scf.if %cond3A_315 {
        %mul3A_452 = arith.constant 2 : i32
        %mul3A_453 = arith.muli %mul3A_452, %scan3A_84 : i32
        %add3A_454 = arith.constant 0 : i32
        %add3A_455 = arith.addi %mul3A_453, %add3A_454 : i32
        %mul3A_456 = arith.constant 2 : i32
        %mul3A_457 = arith.muli %add3A_455, %mul3A_456 : i32
        %add3A_458 = arith.addi %mul3A_2, %mul3A_457 : i32
        %dma_wait3A_459 = arith.constant 0 : i32
        %dma_wait3A_460 = arith.constant 0 : i32
        %dma_wait3A_461 = tpu.memref_slice %arg4[%dma_wait3A_459, %add3A_458, %dma_wait3A_460] : memref<4x4096x4096xf32, #tpu.memory_space<hbm>> -> memref<1x2x4096xf32, #tpu.memory_space<hbm>>
        %dma_wait3A_462 = tpu.memref_squeeze %dma_wait3A_461 : memref<1x2x4096xf32, #tpu.memory_space<hbm>> -> memref<2x4096xf32, #tpu.memory_space<hbm>>
        %dma_wait3A_463 = arith.constant 0 : i32
        %dma_wait3A_464 = tpu.memref_slice %arg4[%dma_wait3A_459, %add3A_458, %dma_wait3A_463] : memref<4x4096x4096xf32, #tpu.memory_space<hbm>> -> memref<1x2x4096xf32, #tpu.memory_space<hbm>>
        %dma_wait3A_465 = tpu.memref_squeeze %dma_wait3A_464 : memref<1x2x4096xf32, #tpu.memory_space<hbm>> -> memref<2x4096xf32, #tpu.memory_space<hbm>>
        tpu.wait_dma2 semaphore(%arg23 : memref<!tpu.dma_semaphore, #tpu.memory_space<semaphore_mem>>) src(%arg5 : memref<2x4096xf32, #tpu.memory_space<vmem>>) dst(%dma_wait3A_465 : memref<2x4096xf32, #tpu.memory_space<hbm>>)
      } else {
      }
      %add3A_316 = arith.constant 4 : i32
      %add3A_317 = arith.addi %add3A_287, %add3A_316 : i32
      %lt3A_318 = arith.constant 256 : i32
      %lt3A_319 = arith.cmpi slt, %add3A_317, %lt3A_318 : i32
      %convert_element_type3A_320 = arith.extui %lt3A_319 : i1 to i32
      %cond3A_321 = arith.constant 0 : i32
      %cond3A_322 = arith.cmpi ne, %convert_element_type3A_320, %cond3A_321 : i32
      scf.if %cond3A_322 {
        %add3A_452 = arith.constant 4 : i32
        %add3A_453 = arith.addi %add3A_287, %add3A_452 : i32
        %jit3A = arith.constant 4 : i32
        %div3A = arith.divsi %add3A_453, %jit3A : i32
        %sign3A = arith.constant 0 : i32
        %sign3A_454 = arith.cmpi sgt, %add3A_453, %sign3A : i32
        %sign3A_455 = arith.extui %sign3A_454 : i1 to i32
        %sign3A_456 = arith.constant 0 : i32
        %sign3A_457 = arith.cmpi slt, %add3A_453, %sign3A_456 : i32
        %sign3A_458 = arith.extui %sign3A_457 : i1 to i32
        %sign3A_459 = arith.subi %sign3A_455, %sign3A_458 : i32
        %sign3A_460 = arith.constant 0 : i32
        %sign3A_461 = arith.cmpi sgt, %jit3A, %sign3A_460 : i32
        %sign3A_462 = arith.extui %sign3A_461 : i1 to i32
        %sign3A_463 = arith.constant 0 : i32
        %sign3A_464 = arith.cmpi slt, %jit3A, %sign3A_463 : i32
        %sign3A_465 = arith.extui %sign3A_464 : i1 to i32
        %sign3A_466 = arith.subi %sign3A_462, %sign3A_465 : i32
        %ne3A = arith.cmpi ne, %sign3A_459, %sign3A_466 : i32
        %rem3A = arith.remsi %add3A_453, %jit3A : i32
        %ne3A_467 = arith.constant 0 : i32
        %ne3A_468 = arith.cmpi ne, %rem3A, %ne3A_467 : i32
        %and3A = arith.andi %ne3A, %ne3A_468 : i1
        %sub3A = arith.constant 1 : i32
        %sub3A_469 = arith.subi %div3A, %sub3A : i32
        %select_n3A = arith.select %and3A, %sub3A_469, %div3A : i32
        %mul3A_470 = arith.constant 2 : i32
        %mul3A_471 = arith.muli %select_n3A, %mul3A_470 : i32
        %add3A_472 = arith.addi %mul3A_2, %mul3A_471 : i32
        %dma_start3A_473 = arith.constant 0 : i32
        %dma_start3A_474 = arith.constant 0 : i32
        %dma_start3A_475 = tpu.memref_slice %arg2[%dma_start3A_473, %add3A_472, %dma_start3A_474] : memref<4x4096x4096xf32, #tpu.memory_space<hbm>> -> memref<1x2x4096xf32, #tpu.memory_space<hbm>>
        %dma_start3A_476 = tpu.memref_squeeze %dma_start3A_475 : memref<1x2x4096xf32, #tpu.memory_space<hbm>> -> memref<2x4096xf32, #tpu.memory_space<hbm>>
        %dma_start3A_477 = arith.constant 0 : i32
        %dma_start3A_478 = tpu.memref_slice %arg2[%dma_start3A_473, %add3A_472, %dma_start3A_477] : memref<4x4096x4096xf32, #tpu.memory_space<hbm>> -> memref<1x2x4096xf32, #tpu.memory_space<hbm>>
        %dma_start3A_479 = tpu.memref_squeeze %dma_start3A_478 : memref<1x2x4096xf32, #tpu.memory_space<hbm>> -> memref<2x4096xf32, #tpu.memory_space<hbm>>
        tpu.enqueue_dma source(%dma_start3A_479 : memref<2x4096xf32, #tpu.memory_space<hbm>>) target(%arg5 : memref<2x4096xf32, #tpu.memory_space<vmem>>) target_semaphore(%arg15 : memref<!tpu.dma_semaphore, #tpu.memory_space<semaphore_mem>>)
      } else {
      }
      %mul3A_323 = arith.constant 2 : i32
      %mul3A_324 = arith.muli %mul3A_323, %scan3A_84 : i32
      %add3A_325 = arith.constant 1 : i32
      %add3A_326 = arith.addi %mul3A_324, %add3A_325 : i32
      %mul3A_327 = arith.constant 8 : i32
      %mul3A_328 = arith.muli %mul3A_327, %scan3A_84 : i32
      %add3A_329 = arith.constant 5 : i32
      %add3A_330 = arith.addi %mul3A_328, %add3A_329 : i32
      %mul3A_331 = arith.constant 2 : i32
      %mul3A_332 = arith.muli %add3A_326, %mul3A_331 : i32
      %add3A_333 = arith.addi %mul3A_2, %mul3A_332 : i32
      %dma_wait3A_334 = arith.constant 1 : i32
      %dma_wait3A_335 = arith.constant 0 : i32
      %dma_wait3A_336 = tpu.memref_slice %arg2[%dma_wait3A_334, %add3A_333, %dma_wait3A_335] : memref<4x4096x4096xf32, #tpu.memory_space<hbm>> -> memref<1x2x4096xf32, #tpu.memory_space<hbm>>
      %dma_wait3A_337 = tpu.memref_squeeze %dma_wait3A_336 : memref<1x2x4096xf32, #tpu.memory_space<hbm>> -> memref<2x4096xf32, #tpu.memory_space<hbm>>
      %dma_wait3A_338 = arith.constant 0 : i32
      %dma_wait3A_339 = tpu.memref_slice %arg2[%dma_wait3A_334, %add3A_333, %dma_wait3A_338] : memref<4x4096x4096xf32, #tpu.memory_space<hbm>> -> memref<1x2x4096xf32, #tpu.memory_space<hbm>>
      %dma_wait3A_340 = tpu.memref_squeeze %dma_wait3A_339 : memref<1x2x4096xf32, #tpu.memory_space<hbm>> -> memref<2x4096xf32, #tpu.memory_space<hbm>>
      tpu.wait_dma2 semaphore(%arg20 : memref<!tpu.dma_semaphore, #tpu.memory_space<semaphore_mem>>) src(%dma_wait3A_340 : memref<2x4096xf32, #tpu.memory_space<hbm>>) dst(%arg10 : memref<2x4096xf32, #tpu.memory_space<vmem>>)
      %parallel_loop3A_341 = arith.constant 0 : i32
      %parallel_loop3A_342 = arith.constant 256 : i32
      %parallel_loop3A_343 = arith.constant 1 : i32
      scf.for %parallel_loop3A_452 = %parallel_loop3A_341 to %parallel_loop3A_342 step %parallel_loop3A_343  : i32 {
        %parallel_loop3A_453 = arith.constant 16 : i32
        %parallel_loop3A_454 = arith.muli %parallel_loop3A_452, %parallel_loop3A_453 : i32
        %parallel_loop3A_455 = arith.constant 0 : i32
        %parallel_loop3A_456 = arith.index_cast %parallel_loop3A_455 : i32 to index
        %parallel_loop3A_457 = arith.index_cast %parallel_loop3A_454 : i32 to index
        %parallel_loop3A_458 = tpu.vector_load %arg14[%parallel_loop3A_456, %parallel_loop3A_457] {strides = array<i32>} : memref<2x4096xf32, #tpu.memory_space<vmem>>, vector<1x16xf32>,
        %parallel_loop3A_459 = vector.shape_cast %parallel_loop3A_458 : vector<1x16xf32> to vector<16xf32>
        %parallel_loop3A_460 = arith.constant 0 : i32
        %parallel_loop3A_461 = arith.index_cast %parallel_loop3A_460 : i32 to index
        %parallel_loop3A_462 = arith.index_cast %parallel_loop3A_454 : i32 to index
        %parallel_loop3A_463 = tpu.vector_load %arg10[%parallel_loop3A_461, %parallel_loop3A_462] {strides = array<i32>} : memref<2x4096xf32, #tpu.memory_space<vmem>>, vector<1x16xf32>,
        %parallel_loop3A_464 = vector.shape_cast %parallel_loop3A_463 : vector<1x16xf32> to vector<16xf32>
        %parallel_loop3A_465 = vector.shape_cast %parallel_loop3A_459 : vector<16xf32> to vector<1x16xf32>
        tpu.vector_store %arg10[%parallel_loop3A_461, %parallel_loop3A_462], %parallel_loop3A_465 {add = true, strides = array<i32>} : memref<2x4096xf32, #tpu.memory_space<vmem>>, vector<1x16xf32>,
        %parallel_loop3A_466 = arith.constant 1 : i32
        %parallel_loop3A_467 = arith.index_cast %parallel_loop3A_466 : i32 to index
        %parallel_loop3A_468 = arith.index_cast %parallel_loop3A_454 : i32 to index
        %parallel_loop3A_469 = tpu.vector_load %arg14[%parallel_loop3A_467, %parallel_loop3A_468] {strides = array<i32>} : memref<2x4096xf32, #tpu.memory_space<vmem>>, vector<1x16xf32>,
        %parallel_loop3A_470 = vector.shape_cast %parallel_loop3A_469 : vector<1x16xf32> to vector<16xf32>
        %parallel_loop3A_471 = arith.constant 1 : i32
        %parallel_loop3A_472 = arith.index_cast %parallel_loop3A_471 : i32 to index
        %parallel_loop3A_473 = arith.index_cast %parallel_loop3A_454 : i32 to index
        %parallel_loop3A_474 = tpu.vector_load %arg10[%parallel_loop3A_472, %parallel_loop3A_473] {strides = array<i32>} : memref<2x4096xf32, #tpu.memory_space<vmem>>, vector<1x16xf32>,
        %parallel_loop3A_475 = vector.shape_cast %parallel_loop3A_474 : vector<1x16xf32> to vector<16xf32>
        %parallel_loop3A_476 = vector.shape_cast %parallel_loop3A_470 : vector<16xf32> to vector<1x16xf32>
        tpu.vector_store %arg10[%parallel_loop3A_472, %parallel_loop3A_473], %parallel_loop3A_476 {add = true, strides = array<i32>} : memref<2x4096xf32, #tpu.memory_space<vmem>>, vector<1x16xf32>,
      } {sc.loop_unroll_factor = 8 : i64, sc.parallel_access}
      %mul3A_344 = arith.constant 2 : i32
      %mul3A_345 = arith.muli %add3A_326, %mul3A_344 : i32
      %add3A_346 = arith.addi %mul3A_2, %mul3A_345 : i32
      %dma_start3A_347 = arith.constant 1 : i32
      %dma_start3A_348 = arith.constant 0 : i32
      %dma_start3A_349 = tpu.memref_slice %arg4[%dma_start3A_347, %add3A_346, %dma_start3A_348] : memref<4x4096x4096xf32, #tpu.memory_space<hbm>> -> memref<1x2x4096xf32, #tpu.memory_space<hbm>>
      %dma_start3A_350 = tpu.memref_squeeze %dma_start3A_349 : memref<1x2x4096xf32, #tpu.memory_space<hbm>> -> memref<2x4096xf32, #tpu.memory_space<hbm>>
      %dma_start3A_351 = arith.constant 0 : i32
      %dma_start3A_352 = tpu.memref_slice %arg4[%dma_start3A_347, %add3A_346, %dma_start3A_351] : memref<4x4096x4096xf32, #tpu.memory_space<hbm>> -> memref<1x2x4096xf32, #tpu.memory_space<hbm>>
      %dma_start3A_353 = tpu.memref_squeeze %dma_start3A_352 : memref<1x2x4096xf32, #tpu.memory_space<hbm>> -> memref<2x4096xf32, #tpu.memory_space<hbm>>
      tpu.enqueue_dma source(%arg10 : memref<2x4096xf32, #tpu.memory_space<vmem>>) target(%dma_start3A_353 : memref<2x4096xf32, #tpu.memory_space<hbm>>) target_semaphore(%arg28 : memref<!tpu.dma_semaphore, #tpu.memory_space<semaphore_mem>>)
      %ge3A_354 = arith.constant 4 : i32
      %ge3A_355 = arith.cmpi sge, %add3A_330, %ge3A_354 : i32
      %convert_element_type3A_356 = arith.extui %ge3A_355 : i1 to i32
      %cond3A_357 = arith.constant 0 : i32
      %cond3A_358 = arith.cmpi ne, %convert_element_type3A_356, %cond3A_357 : i32
      scf.if %cond3A_358 {
        %mul3A_452 = arith.constant 2 : i32
        %mul3A_453 = arith.muli %mul3A_452, %scan3A_84 : i32
        %add3A_454 = arith.constant 0 : i32
        %add3A_455 = arith.addi %mul3A_453, %add3A_454 : i32
        %mul3A_456 = arith.constant 2 : i32
        %mul3A_457 = arith.muli %add3A_455, %mul3A_456 : i32
        %add3A_458 = arith.addi %mul3A_2, %mul3A_457 : i32
        %dma_wait3A_459 = arith.constant 1 : i32
        %dma_wait3A_460 = arith.constant 0 : i32
        %dma_wait3A_461 = tpu.memref_slice %arg4[%dma_wait3A_459, %add3A_458, %dma_wait3A_460] : memref<4x4096x4096xf32, #tpu.memory_space<hbm>> -> memref<1x2x4096xf32, #tpu.memory_space<hbm>>
        %dma_wait3A_462 = tpu.memref_squeeze %dma_wait3A_461 : memref<1x2x4096xf32, #tpu.memory_space<hbm>> -> memref<2x4096xf32, #tpu.memory_space<hbm>>
        %dma_wait3A_463 = arith.constant 0 : i32
        %dma_wait3A_464 = tpu.memref_slice %arg4[%dma_wait3A_459, %add3A_458, %dma_wait3A_463] : memref<4x4096x4096xf32, #tpu.memory_space<hbm>> -> memref<1x2x4096xf32, #tpu.memory_space<hbm>>
        %dma_wait3A_465 = tpu.memref_squeeze %dma_wait3A_464 : memref<1x2x4096xf32, #tpu.memory_space<hbm>> -> memref<2x4096xf32, #tpu.memory_space<hbm>>
        tpu.wait_dma2 semaphore(%arg24 : memref<!tpu.dma_semaphore, #tpu.memory_space<semaphore_mem>>) src(%arg6 : memref<2x4096xf32, #tpu.memory_space<vmem>>) dst(%dma_wait3A_465 : memref<2x4096xf32, #tpu.memory_space<hbm>>)
      } else {
      }
      %add3A_359 = arith.constant 4 : i32
      %add3A_360 = arith.addi %add3A_330, %add3A_359 : i32
      %lt3A_361 = arith.constant 256 : i32
      %lt3A_362 = arith.cmpi slt, %add3A_360, %lt3A_361 : i32
      %convert_element_type3A_363 = arith.extui %lt3A_362 : i1 to i32
      %cond3A_364 = arith.constant 0 : i32
      %cond3A_365 = arith.cmpi ne, %convert_element_type3A_363, %cond3A_364 : i32
      scf.if %cond3A_365 {
        %add3A_452 = arith.constant 4 : i32
        %add3A_453 = arith.addi %add3A_330, %add3A_452 : i32
        %jit3A = arith.constant 4 : i32
        %div3A = arith.divsi %add3A_453, %jit3A : i32
        %sign3A = arith.constant 0 : i32
        %sign3A_454 = arith.cmpi sgt, %add3A_453, %sign3A : i32
        %sign3A_455 = arith.extui %sign3A_454 : i1 to i32
        %sign3A_456 = arith.constant 0 : i32
        %sign3A_457 = arith.cmpi slt, %add3A_453, %sign3A_456 : i32
        %sign3A_458 = arith.extui %sign3A_457 : i1 to i32
        %sign3A_459 = arith.subi %sign3A_455, %sign3A_458 : i32
        %sign3A_460 = arith.constant 0 : i32
        %sign3A_461 = arith.cmpi sgt, %jit3A, %sign3A_460 : i32
        %sign3A_462 = arith.extui %sign3A_461 : i1 to i32
        %sign3A_463 = arith.constant 0 : i32
        %sign3A_464 = arith.cmpi slt, %jit3A, %sign3A_463 : i32
        %sign3A_465 = arith.extui %sign3A_464 : i1 to i32
        %sign3A_466 = arith.subi %sign3A_462, %sign3A_465 : i32
        %ne3A = arith.cmpi ne, %sign3A_459, %sign3A_466 : i32
        %rem3A = arith.remsi %add3A_453, %jit3A : i32
        %ne3A_467 = arith.constant 0 : i32
        %ne3A_468 = arith.cmpi ne, %rem3A, %ne3A_467 : i32
        %and3A = arith.andi %ne3A, %ne3A_468 : i1
        %sub3A = arith.constant 1 : i32
        %sub3A_469 = arith.subi %div3A, %sub3A : i32
        %select_n3A = arith.select %and3A, %sub3A_469, %div3A : i32
        %mul3A_470 = arith.constant 2 : i32
        %mul3A_471 = arith.muli %select_n3A, %mul3A_470 : i32
        %add3A_472 = arith.addi %mul3A_2, %mul3A_471 : i32
        %dma_start3A_473 = arith.constant 1 : i32
        %dma_start3A_474 = arith.constant 0 : i32
        %dma_start3A_475 = tpu.memref_slice %arg2[%dma_start3A_473, %add3A_472, %dma_start3A_474] : memref<4x4096x4096xf32, #tpu.memory_space<hbm>> -> memref<1x2x4096xf32, #tpu.memory_space<hbm>>
        %dma_start3A_476 = tpu.memref_squeeze %dma_start3A_475 : memref<1x2x4096xf32, #tpu.memory_space<hbm>> -> memref<2x4096xf32, #tpu.memory_space<hbm>>
        %dma_start3A_477 = arith.constant 0 : i32
        %dma_start3A_478 = tpu.memref_slice %arg2[%dma_start3A_473, %add3A_472, %dma_start3A_477] : memref<4x4096x4096xf32, #tpu.memory_space<hbm>> -> memref<1x2x4096xf32, #tpu.memory_space<hbm>>
        %dma_start3A_479 = tpu.memref_squeeze %dma_start3A_478 : memref<1x2x4096xf32, #tpu.memory_space<hbm>> -> memref<2x4096xf32, #tpu.memory_space<hbm>>
        tpu.enqueue_dma source(%dma_start3A_479 : memref<2x4096xf32, #tpu.memory_space<hbm>>) target(%arg6 : memref<2x4096xf32, #tpu.memory_space<vmem>>) target_semaphore(%arg16 : memref<!tpu.dma_semaphore, #tpu.memory_space<semaphore_mem>>)
      } else {
      }
      %mul3A_366 = arith.constant 2 : i32
      %mul3A_367 = arith.muli %mul3A_366, %scan3A_84 : i32
      %add3A_368 = arith.constant 1 : i32
      %add3A_369 = arith.addi %mul3A_367, %add3A_368 : i32
      %mul3A_370 = arith.constant 8 : i32
      %mul3A_371 = arith.muli %mul3A_370, %scan3A_84 : i32
      %add3A_372 = arith.constant 6 : i32
      %add3A_373 = arith.addi %mul3A_371, %add3A_372 : i32
      %mul3A_374 = arith.constant 2 : i32
      %mul3A_375 = arith.muli %add3A_369, %mul3A_374 : i32
      %add3A_376 = arith.addi %mul3A_2, %mul3A_375 : i32
      %dma_wait3A_377 = arith.constant 2 : i32
      %dma_wait3A_378 = arith.constant 0 : i32
      %dma_wait3A_379 = tpu.memref_slice %arg2[%dma_wait3A_377, %add3A_376, %dma_wait3A_378] : memref<4x4096x4096xf32, #tpu.memory_space<hbm>> -> memref<1x2x4096xf32, #tpu.memory_space<hbm>>
      %dma_wait3A_380 = tpu.memref_squeeze %dma_wait3A_379 : memref<1x2x4096xf32, #tpu.memory_space<hbm>> -> memref<2x4096xf32, #tpu.memory_space<hbm>>
      %dma_wait3A_381 = arith.constant 0 : i32
      %dma_wait3A_382 = tpu.memref_slice %arg2[%dma_wait3A_377, %add3A_376, %dma_wait3A_381] : memref<4x4096x4096xf32, #tpu.memory_space<hbm>> -> memref<1x2x4096xf32, #tpu.memory_space<hbm>>
      %dma_wait3A_383 = tpu.memref_squeeze %dma_wait3A_382 : memref<1x2x4096xf32, #tpu.memory_space<hbm>> -> memref<2x4096xf32, #tpu.memory_space<hbm>>
      tpu.wait_dma2 semaphore(%arg21 : memref<!tpu.dma_semaphore, #tpu.memory_space<semaphore_mem>>) src(%dma_wait3A_383 : memref<2x4096xf32, #tpu.memory_space<hbm>>) dst(%arg11 : memref<2x4096xf32, #tpu.memory_space<vmem>>)
      %parallel_loop3A_384 = arith.constant 0 : i32
      %parallel_loop3A_385 = arith.constant 256 : i32
      %parallel_loop3A_386 = arith.constant 1 : i32
      scf.for %parallel_loop3A_452 = %parallel_loop3A_384 to %parallel_loop3A_385 step %parallel_loop3A_386  : i32 {
        %parallel_loop3A_453 = arith.constant 16 : i32
        %parallel_loop3A_454 = arith.muli %parallel_loop3A_452, %parallel_loop3A_453 : i32
        %parallel_loop3A_455 = arith.constant 0 : i32
        %parallel_loop3A_456 = arith.index_cast %parallel_loop3A_455 : i32 to index
        %parallel_loop3A_457 = arith.index_cast %parallel_loop3A_454 : i32 to index
        %parallel_loop3A_458 = tpu.vector_load %arg14[%parallel_loop3A_456, %parallel_loop3A_457] {strides = array<i32>} : memref<2x4096xf32, #tpu.memory_space<vmem>>, vector<1x16xf32>,
        %parallel_loop3A_459 = vector.shape_cast %parallel_loop3A_458 : vector<1x16xf32> to vector<16xf32>
        %parallel_loop3A_460 = arith.constant 0 : i32
        %parallel_loop3A_461 = arith.index_cast %parallel_loop3A_460 : i32 to index
        %parallel_loop3A_462 = arith.index_cast %parallel_loop3A_454 : i32 to index
        %parallel_loop3A_463 = tpu.vector_load %arg11[%parallel_loop3A_461, %parallel_loop3A_462] {strides = array<i32>} : memref<2x4096xf32, #tpu.memory_space<vmem>>, vector<1x16xf32>,
        %parallel_loop3A_464 = vector.shape_cast %parallel_loop3A_463 : vector<1x16xf32> to vector<16xf32>
        %parallel_loop3A_465 = vector.shape_cast %parallel_loop3A_459 : vector<16xf32> to vector<1x16xf32>
        tpu.vector_store %arg11[%parallel_loop3A_461, %parallel_loop3A_462], %parallel_loop3A_465 {add = true, strides = array<i32>} : memref<2x4096xf32, #tpu.memory_space<vmem>>, vector<1x16xf32>,
        %parallel_loop3A_466 = arith.constant 1 : i32
        %parallel_loop3A_467 = arith.index_cast %parallel_loop3A_466 : i32 to index
        %parallel_loop3A_468 = arith.index_cast %parallel_loop3A_454 : i32 to index
        %parallel_loop3A_469 = tpu.vector_load %arg14[%parallel_loop3A_467, %parallel_loop3A_468] {strides = array<i32>} : memref<2x4096xf32, #tpu.memory_space<vmem>>, vector<1x16xf32>,
        %parallel_loop3A_470 = vector.shape_cast %parallel_loop3A_469 : vector<1x16xf32> to vector<16xf32>
        %parallel_loop3A_471 = arith.constant 1 : i32
        %parallel_loop3A_472 = arith.index_cast %parallel_loop3A_471 : i32 to index
        %parallel_loop3A_473 = arith.index_cast %parallel_loop3A_454 : i32 to index
        %parallel_loop3A_474 = tpu.vector_load %arg11[%parallel_loop3A_472, %parallel_loop3A_473] {strides = array<i32>} : memref<2x4096xf32, #tpu.memory_space<vmem>>, vector<1x16xf32>,
        %parallel_loop3A_475 = vector.shape_cast %parallel_loop3A_474 : vector<1x16xf32> to vector<16xf32>
        %parallel_loop3A_476 = vector.shape_cast %parallel_loop3A_470 : vector<16xf32> to vector<1x16xf32>
        tpu.vector_store %arg11[%parallel_loop3A_472, %parallel_loop3A_473], %parallel_loop3A_476 {add = true, strides = array<i32>} : memref<2x4096xf32, #tpu.memory_space<vmem>>, vector<1x16xf32>,
      } {sc.loop_unroll_factor = 8 : i64, sc.parallel_access}
      %mul3A_387 = arith.constant 2 : i32
      %mul3A_388 = arith.muli %add3A_369, %mul3A_387 : i32
      %add3A_389 = arith.addi %mul3A_2, %mul3A_388 : i32
      %dma_start3A_390 = arith.constant 2 : i32
      %dma_start3A_391 = arith.constant 0 : i32
      %dma_start3A_392 = tpu.memref_slice %arg4[%dma_start3A_390, %add3A_389, %dma_start3A_391] : memref<4x4096x4096xf32, #tpu.memory_space<hbm>> -> memref<1x2x4096xf32, #tpu.memory_space<hbm>>
      %dma_start3A_393 = tpu.memref_squeeze %dma_start3A_392 : memref<1x2x4096xf32, #tpu.memory_space<hbm>> -> memref<2x4096xf32, #tpu.memory_space<hbm>>
      %dma_start3A_394 = arith.constant 0 : i32
      %dma_start3A_395 = tpu.memref_slice %arg4[%dma_start3A_390, %add3A_389, %dma_start3A_394] : memref<4x4096x4096xf32, #tpu.memory_space<hbm>> -> memref<1x2x4096xf32, #tpu.memory_space<hbm>>
      %dma_start3A_396 = tpu.memref_squeeze %dma_start3A_395 : memref<1x2x4096xf32, #tpu.memory_space<hbm>> -> memref<2x4096xf32, #tpu.memory_space<hbm>>
      tpu.enqueue_dma source(%arg11 : memref<2x4096xf32, #tpu.memory_space<vmem>>) target(%dma_start3A_396 : memref<2x4096xf32, #tpu.memory_space<hbm>>) target_semaphore(%arg29 : memref<!tpu.dma_semaphore, #tpu.memory_space<semaphore_mem>>)
      %ge3A_397 = arith.constant 4 : i32
      %ge3A_398 = arith.cmpi sge, %add3A_373, %ge3A_397 : i32
      %convert_element_type3A_399 = arith.extui %ge3A_398 : i1 to i32
      %cond3A_400 = arith.constant 0 : i32
      %cond3A_401 = arith.cmpi ne, %convert_element_type3A_399, %cond3A_400 : i32
      scf.if %cond3A_401 {
        %mul3A_452 = arith.constant 2 : i32
        %mul3A_453 = arith.muli %mul3A_452, %scan3A_84 : i32
        %add3A_454 = arith.constant 0 : i32
        %add3A_455 = arith.addi %mul3A_453, %add3A_454 : i32
        %mul3A_456 = arith.constant 2 : i32
        %mul3A_457 = arith.muli %add3A_455, %mul3A_456 : i32
        %add3A_458 = arith.addi %mul3A_2, %mul3A_457 : i32
        %dma_wait3A_459 = arith.constant 2 : i32
        %dma_wait3A_460 = arith.constant 0 : i32
        %dma_wait3A_461 = tpu.memref_slice %arg4[%dma_wait3A_459, %add3A_458, %dma_wait3A_460] : memref<4x4096x4096xf32, #tpu.memory_space<hbm>> -> memref<1x2x4096xf32, #tpu.memory_space<hbm>>
        %dma_wait3A_462 = tpu.memref_squeeze %dma_wait3A_461 : memref<1x2x4096xf32, #tpu.memory_space<hbm>> -> memref<2x4096xf32, #tpu.memory_space<hbm>>
        %dma_wait3A_463 = arith.constant 0 : i32
        %dma_wait3A_464 = tpu.memref_slice %arg4[%dma_wait3A_459, %add3A_458, %dma_wait3A_463] : memref<4x4096x4096xf32, #tpu.memory_space<hbm>> -> memref<1x2x4096xf32, #tpu.memory_space<hbm>>
        %dma_wait3A_465 = tpu.memref_squeeze %dma_wait3A_464 : memref<1x2x4096xf32, #tpu.memory_space<hbm>> -> memref<2x4096xf32, #tpu.memory_space<hbm>>
        tpu.wait_dma2 semaphore(%arg25 : memref<!tpu.dma_semaphore, #tpu.memory_space<semaphore_mem>>) src(%arg7 : memref<2x4096xf32, #tpu.memory_space<vmem>>) dst(%dma_wait3A_465 : memref<2x4096xf32, #tpu.memory_space<hbm>>)
      } else {
      }
      %add3A_402 = arith.constant 4 : i32
      %add3A_403 = arith.addi %add3A_373, %add3A_402 : i32
      %lt3A_404 = arith.constant 256 : i32
      %lt3A_405 = arith.cmpi slt, %add3A_403, %lt3A_404 : i32
      %convert_element_type3A_406 = arith.extui %lt3A_405 : i1 to i32
      %cond3A_407 = arith.constant 0 : i32
      %cond3A_408 = arith.cmpi ne, %convert_element_type3A_406, %cond3A_407 : i32
      scf.if %cond3A_408 {
        %add3A_452 = arith.constant 4 : i32
        %add3A_453 = arith.addi %add3A_373, %add3A_452 : i32
        %jit3A = arith.constant 4 : i32
        %div3A = arith.divsi %add3A_453, %jit3A : i32
        %sign3A = arith.constant 0 : i32
        %sign3A_454 = arith.cmpi sgt, %add3A_453, %sign3A : i32
        %sign3A_455 = arith.extui %sign3A_454 : i1 to i32
        %sign3A_456 = arith.constant 0 : i32
        %sign3A_457 = arith.cmpi slt, %add3A_453, %sign3A_456 : i32
        %sign3A_458 = arith.extui %sign3A_457 : i1 to i32
        %sign3A_459 = arith.subi %sign3A_455, %sign3A_458 : i32
        %sign3A_460 = arith.constant 0 : i32
        %sign3A_461 = arith.cmpi sgt, %jit3A, %sign3A_460 : i32
        %sign3A_462 = arith.extui %sign3A_461 : i1 to i32
        %sign3A_463 = arith.constant 0 : i32
        %sign3A_464 = arith.cmpi slt, %jit3A, %sign3A_463 : i32
        %sign3A_465 = arith.extui %sign3A_464 : i1 to i32
        %sign3A_466 = arith.subi %sign3A_462, %sign3A_465 : i32
        %ne3A = arith.cmpi ne, %sign3A_459, %sign3A_466 : i32
        %rem3A = arith.remsi %add3A_453, %jit3A : i32
        %ne3A_467 = arith.constant 0 : i32
        %ne3A_468 = arith.cmpi ne, %rem3A, %ne3A_467 : i32
        %and3A = arith.andi %ne3A, %ne3A_468 : i1
        %sub3A = arith.constant 1 : i32
        %sub3A_469 = arith.subi %div3A, %sub3A : i32
        %select_n3A = arith.select %and3A, %sub3A_469, %div3A : i32
        %mul3A_470 = arith.constant 2 : i32
        %mul3A_471 = arith.muli %select_n3A, %mul3A_470 : i32
        %add3A_472 = arith.addi %mul3A_2, %mul3A_471 : i32
        %dma_start3A_473 = arith.constant 2 : i32
        %dma_start3A_474 = arith.constant 0 : i32
        %dma_start3A_475 = tpu.memref_slice %arg2[%dma_start3A_473, %add3A_472, %dma_start3A_474] : memref<4x4096x4096xf32, #tpu.memory_space<hbm>> -> memref<1x2x4096xf32, #tpu.memory_space<hbm>>
        %dma_start3A_476 = tpu.memref_squeeze %dma_start3A_475 : memref<1x2x4096xf32, #tpu.memory_space<hbm>> -> memref<2x4096xf32, #tpu.memory_space<hbm>>
        %dma_start3A_477 = arith.constant 0 : i32
        %dma_start3A_478 = tpu.memref_slice %arg2[%dma_start3A_473, %add3A_472, %dma_start3A_477] : memref<4x4096x4096xf32, #tpu.memory_space<hbm>> -> memref<1x2x4096xf32, #tpu.memory_space<hbm>>
        %dma_start3A_479 = tpu.memref_squeeze %dma_start3A_478 : memref<1x2x4096xf32, #tpu.memory_space<hbm>> -> memref<2x4096xf32, #tpu.memory_space<hbm>>
        tpu.enqueue_dma source(%dma_start3A_479 : memref<2x4096xf32, #tpu.memory_space<hbm>>) target(%arg7 : memref<2x4096xf32, #tpu.memory_space<vmem>>) target_semaphore(%arg17 : memref<!tpu.dma_semaphore, #tpu.memory_space<semaphore_mem>>)
      } else {
      }
      %mul3A_409 = arith.constant 2 : i32
      %mul3A_410 = arith.muli %mul3A_409, %scan3A_84 : i32
      %add3A_411 = arith.constant 1 : i32
      %add3A_412 = arith.addi %mul3A_410, %add3A_411 : i32
      %mul3A_413 = arith.constant 8 : i32
      %mul3A_414 = arith.muli %mul3A_413, %scan3A_84 : i32
      %add3A_415 = arith.constant 7 : i32
      %add3A_416 = arith.addi %mul3A_414, %add3A_415 : i32
      %mul3A_417 = arith.constant 2 : i32
      %mul3A_418 = arith.muli %add3A_412, %mul3A_417 : i32
      %add3A_419 = arith.addi %mul3A_2, %mul3A_418 : i32
      %dma_wait3A_420 = arith.constant 3 : i32
      %dma_wait3A_421 = arith.constant 0 : i32
      %dma_wait3A_422 = tpu.memref_slice %arg2[%dma_wait3A_420, %add3A_419, %dma_wait3A_421] : memref<4x4096x4096xf32, #tpu.memory_space<hbm>> -> memref<1x2x4096xf32, #tpu.memory_space<hbm>>
      %dma_wait3A_423 = tpu.memref_squeeze %dma_wait3A_422 : memref<1x2x4096xf32, #tpu.memory_space<hbm>> -> memref<2x4096xf32, #tpu.memory_space<hbm>>
      %dma_wait3A_424 = arith.constant 0 : i32
      %dma_wait3A_425 = tpu.memref_slice %arg2[%dma_wait3A_420, %add3A_419, %dma_wait3A_424] : memref<4x4096x4096xf32, #tpu.memory_space<hbm>> -> memref<1x2x4096xf32, #tpu.memory_space<hbm>>
      %dma_wait3A_426 = tpu.memref_squeeze %dma_wait3A_425 : memref<1x2x4096xf32, #tpu.memory_space<hbm>> -> memref<2x4096xf32, #tpu.memory_space<hbm>>
      tpu.wait_dma2 semaphore(%arg22 : memref<!tpu.dma_semaphore, #tpu.memory_space<semaphore_mem>>) src(%dma_wait3A_426 : memref<2x4096xf32, #tpu.memory_space<hbm>>) dst(%arg12 : memref<2x4096xf32, #tpu.memory_space<vmem>>)
      %parallel_loop3A_427 = arith.constant 0 : i32
      %parallel_loop3A_428 = arith.constant 256 : i32
      %parallel_loop3A_429 = arith.constant 1 : i32
      scf.for %parallel_loop3A_452 = %parallel_loop3A_427 to %parallel_loop3A_428 step %parallel_loop3A_429  : i32 {
        %parallel_loop3A_453 = arith.constant 16 : i32
        %parallel_loop3A_454 = arith.muli %parallel_loop3A_452, %parallel_loop3A_453 : i32
        %parallel_loop3A_455 = arith.constant 0 : i32
        %parallel_loop3A_456 = arith.index_cast %parallel_loop3A_455 : i32 to index
        %parallel_loop3A_457 = arith.index_cast %parallel_loop3A_454 : i32 to index
        %parallel_loop3A_458 = tpu.vector_load %arg14[%parallel_loop3A_456, %parallel_loop3A_457] {strides = array<i32>} : memref<2x4096xf32, #tpu.memory_space<vmem>>, vector<1x16xf32>,
        %parallel_loop3A_459 = vector.shape_cast %parallel_loop3A_458 : vector<1x16xf32> to vector<16xf32>
        %parallel_loop3A_460 = arith.constant 0 : i32
        %parallel_loop3A_461 = arith.index_cast %parallel_loop3A_460 : i32 to index
        %parallel_loop3A_462 = arith.index_cast %parallel_loop3A_454 : i32 to index
        %parallel_loop3A_463 = tpu.vector_load %arg12[%parallel_loop3A_461, %parallel_loop3A_462] {strides = array<i32>} : memref<2x4096xf32, #tpu.memory_space<vmem>>, vector<1x16xf32>,
        %parallel_loop3A_464 = vector.shape_cast %parallel_loop3A_463 : vector<1x16xf32> to vector<16xf32>
        %parallel_loop3A_465 = vector.shape_cast %parallel_loop3A_459 : vector<16xf32> to vector<1x16xf32>
        tpu.vector_store %arg12[%parallel_loop3A_461, %parallel_loop3A_462], %parallel_loop3A_465 {add = true, strides = array<i32>} : memref<2x4096xf32, #tpu.memory_space<vmem>>, vector<1x16xf32>,
        %parallel_loop3A_466 = arith.constant 1 : i32
        %parallel_loop3A_467 = arith.index_cast %parallel_loop3A_466 : i32 to index
        %parallel_loop3A_468 = arith.index_cast %parallel_loop3A_454 : i32 to index
        %parallel_loop3A_469 = tpu.vector_load %arg14[%parallel_loop3A_467, %parallel_loop3A_468] {strides = array<i32>} : memref<2x4096xf32, #tpu.memory_space<vmem>>, vector<1x16xf32>,
        %parallel_loop3A_470 = vector.shape_cast %parallel_loop3A_469 : vector<1x16xf32> to vector<16xf32>
        %parallel_loop3A_471 = arith.constant 1 : i32
        %parallel_loop3A_472 = arith.index_cast %parallel_loop3A_471 : i32 to index
        %parallel_loop3A_473 = arith.index_cast %parallel_loop3A_454 : i32 to index
        %parallel_loop3A_474 = tpu.vector_load %arg12[%parallel_loop3A_472, %parallel_loop3A_473] {strides = array<i32>} : memref<2x4096xf32, #tpu.memory_space<vmem>>, vector<1x16xf32>,
        %parallel_loop3A_475 = vector.shape_cast %parallel_loop3A_474 : vector<1x16xf32> to vector<16xf32>
        %parallel_loop3A_476 = vector.shape_cast %parallel_loop3A_470 : vector<16xf32> to vector<1x16xf32>
        tpu.vector_store %arg12[%parallel_loop3A_472, %parallel_loop3A_473], %parallel_loop3A_476 {add = true, strides = array<i32>} : memref<2x4096xf32, #tpu.memory_space<vmem>>, vector<1x16xf32>,
      } {sc.loop_unroll_factor = 8 : i64, sc.parallel_access}
      %mul3A_430 = arith.constant 2 : i32
      %mul3A_431 = arith.muli %add3A_412, %mul3A_430 : i32
      %add3A_432 = arith.addi %mul3A_2, %mul3A_431 : i32
      %dma_start3A_433 = arith.constant 3 : i32
      %dma_start3A_434 = arith.constant 0 : i32
      %dma_start3A_435 = tpu.memref_slice %arg4[%dma_start3A_433, %add3A_432, %dma_start3A_434] : memref<4x4096x4096xf32, #tpu.memory_space<hbm>> -> memref<1x2x4096xf32, #tpu.memory_space<hbm>>
      %dma_start3A_436 = tpu.memref_squeeze %dma_start3A_435 : memref<1x2x4096xf32, #tpu.memory_space<hbm>> -> memref<2x4096xf32, #tpu.memory_space<hbm>>
      %dma_start3A_437 = arith.constant 0 : i32
      %dma_start3A_438 = tpu.memref_slice %arg4[%dma_start3A_433, %add3A_432, %dma_start3A_437] : memref<4x4096x4096xf32, #tpu.memory_space<hbm>> -> memref<1x2x4096xf32, #tpu.memory_space<hbm>>
      %dma_start3A_439 = tpu.memref_squeeze %dma_start3A_438 : memref<1x2x4096xf32, #tpu.memory_space<hbm>> -> memref<2x4096xf32, #tpu.memory_space<hbm>>
      tpu.enqueue_dma source(%arg12 : memref<2x4096xf32, #tpu.memory_space<vmem>>) target(%dma_start3A_439 : memref<2x4096xf32, #tpu.memory_space<hbm>>) target_semaphore(%arg30 : memref<!tpu.dma_semaphore, #tpu.memory_space<semaphore_mem>>)
      %ge3A_440 = arith.constant 4 : i32
      %ge3A_441 = arith.cmpi sge, %add3A_416, %ge3A_440 : i32
      %convert_element_type3A_442 = arith.extui %ge3A_441 : i1 to i32
      %cond3A_443 = arith.constant 0 : i32
      %cond3A_444 = arith.cmpi ne, %convert_element_type3A_442, %cond3A_443 : i32
      scf.if %cond3A_444 {
        %mul3A_452 = arith.constant 2 : i32
        %mul3A_453 = arith.muli %mul3A_452, %scan3A_84 : i32
        %add3A_454 = arith.constant 0 : i32
        %add3A_455 = arith.addi %mul3A_453, %add3A_454 : i32
        %mul3A_456 = arith.constant 2 : i32
        %mul3A_457 = arith.muli %add3A_455, %mul3A_456 : i32
        %add3A_458 = arith.addi %mul3A_2, %mul3A_457 : i32
        %dma_wait3A_459 = arith.constant 3 : i32
        %dma_wait3A_460 = arith.constant 0 : i32
        %dma_wait3A_461 = tpu.memref_slice %arg4[%dma_wait3A_459, %add3A_458, %dma_wait3A_460] : memref<4x4096x4096xf32, #tpu.memory_space<hbm>> -> memref<1x2x4096xf32, #tpu.memory_space<hbm>>
        %dma_wait3A_462 = tpu.memref_squeeze %dma_wait3A_461 : memref<1x2x4096xf32, #tpu.memory_space<hbm>> -> memref<2x4096xf32, #tpu.memory_space<hbm>>
        %dma_wait3A_463 = arith.constant 0 : i32
        %dma_wait3A_464 = tpu.memref_slice %arg4[%dma_wait3A_459, %add3A_458, %dma_wait3A_463] : memref<4x4096x4096xf32, #tpu.memory_space<hbm>> -> memref<1x2x4096xf32, #tpu.memory_space<hbm>>
        %dma_wait3A_465 = tpu.memref_squeeze %dma_wait3A_464 : memref<1x2x4096xf32, #tpu.memory_space<hbm>> -> memref<2x4096xf32, #tpu.memory_space<hbm>>
        tpu.wait_dma2 semaphore(%arg26 : memref<!tpu.dma_semaphore, #tpu.memory_space<semaphore_mem>>) src(%arg8 : memref<2x4096xf32, #tpu.memory_space<vmem>>) dst(%dma_wait3A_465 : memref<2x4096xf32, #tpu.memory_space<hbm>>)
      } else {
      }
      %add3A_445 = arith.constant 4 : i32
      %add3A_446 = arith.addi %add3A_416, %add3A_445 : i32
      %lt3A_447 = arith.constant 256 : i32
      %lt3A_448 = arith.cmpi slt, %add3A_446, %lt3A_447 : i32
      %convert_element_type3A_449 = arith.extui %lt3A_448 : i1 to i32
      %cond3A_450 = arith.constant 0 : i32
      %cond3A_451 = arith.cmpi ne, %convert_element_type3A_449, %cond3A_450 : i32
      scf.if %cond3A_451 {
        %add3A_452 = arith.constant 4 : i32
        %add3A_453 = arith.addi %add3A_416, %add3A_452 : i32
        %jit3A = arith.constant 4 : i32
        %div3A = arith.divsi %add3A_453, %jit3A : i32
        %sign3A = arith.constant 0 : i32
        %sign3A_454 = arith.cmpi sgt, %add3A_453, %sign3A : i32
        %sign3A_455 = arith.extui %sign3A_454 : i1 to i32
        %sign3A_456 = arith.constant 0 : i32
        %sign3A_457 = arith.cmpi slt, %add3A_453, %sign3A_456 : i32
        %sign3A_458 = arith.extui %sign3A_457 : i1 to i32
        %sign3A_459 = arith.subi %sign3A_455, %sign3A_458 : i32
        %sign3A_460 = arith.constant 0 : i32
        %sign3A_461 = arith.cmpi sgt, %jit3A, %sign3A_460 : i32
        %sign3A_462 = arith.extui %sign3A_461 : i1 to i32
        %sign3A_463 = arith.constant 0 : i32
        %sign3A_464 = arith.cmpi slt, %jit3A, %sign3A_463 : i32
        %sign3A_465 = arith.extui %sign3A_464 : i1 to i32
        %sign3A_466 = arith.subi %sign3A_462, %sign3A_465 : i32
        %ne3A = arith.cmpi ne, %sign3A_459, %sign3A_466 : i32
        %rem3A = arith.remsi %add3A_453, %jit3A : i32
        %ne3A_467 = arith.constant 0 : i32
        %ne3A_468 = arith.cmpi ne, %rem3A, %ne3A_467 : i32
        %and3A = arith.andi %ne3A, %ne3A_468 : i1
        %sub3A = arith.constant 1 : i32
        %sub3A_469 = arith.subi %div3A, %sub3A : i32
        %select_n3A = arith.select %and3A, %sub3A_469, %div3A : i32
        %mul3A_470 = arith.constant 2 : i32
        %mul3A_471 = arith.muli %select_n3A, %mul3A_470 : i32
        %add3A_472 = arith.addi %mul3A_2, %mul3A_471 : i32
        %dma_start3A_473 = arith.constant 3 : i32
        %dma_start3A_474 = arith.constant 0 : i32
        %dma_start3A_475 = tpu.memref_slice %arg2[%dma_start3A_473, %add3A_472, %dma_start3A_474] : memref<4x4096x4096xf32, #tpu.memory_space<hbm>> -> memref<1x2x4096xf32, #tpu.memory_space<hbm>>
        %dma_start3A_476 = tpu.memref_squeeze %dma_start3A_475 : memref<1x2x4096xf32, #tpu.memory_space<hbm>> -> memref<2x4096xf32, #tpu.memory_space<hbm>>
        %dma_start3A_477 = arith.constant 0 : i32
        %dma_start3A_478 = tpu.memref_slice %arg2[%dma_start3A_473, %add3A_472, %dma_start3A_477] : memref<4x4096x4096xf32, #tpu.memory_space<hbm>> -> memref<1x2x4096xf32, #tpu.memory_space<hbm>>
        %dma_start3A_479 = tpu.memref_squeeze %dma_start3A_478 : memref<1x2x4096xf32, #tpu.memory_space<hbm>> -> memref<2x4096xf32, #tpu.memory_space<hbm>>
        tpu.enqueue_dma source(%dma_start3A_479 : memref<2x4096xf32, #tpu.memory_space<hbm>>) target(%arg8 : memref<2x4096xf32, #tpu.memory_space<vmem>>) target_semaphore(%arg18 : memref<!tpu.dma_semaphore, #tpu.memory_space<semaphore_mem>>)
      } else {
      }
    }
    %scan3A_48 = arith.constant 32 : i32
    %add3A_49 = arith.constant 126 : i32
    %add3A_50 = arith.addi %mul3A_2, %add3A_49 : i32
    %dma_wait3A = arith.constant 0 : i32
    %dma_wait3A_51 = arith.constant 0 : i32
    %dma_wait3A_52 = tpu.memref_slice %arg4[%dma_wait3A, %add3A_50, %dma_wait3A_51] : memref<4x4096x4096xf32, #tpu.memory_space<hbm>> -> memref<1x2x4096xf32, #tpu.memory_space<hbm>>
    %dma_wait3A_53 = tpu.memref_squeeze %dma_wait3A_52 : memref<1x2x4096xf32, #tpu.memory_space<hbm>> -> memref<2x4096xf32, #tpu.memory_space<hbm>>
    %dma_wait3A_54 = arith.constant 0 : i32
    %dma_wait3A_55 = tpu.memref_slice %arg4[%dma_wait3A, %add3A_50, %dma_wait3A_54] : memref<4x4096x4096xf32, #tpu.memory_space<hbm>> -> memref<1x2x4096xf32, #tpu.memory_space<hbm>>
    %dma_wait3A_56 = tpu.memref_squeeze %dma_wait3A_55 : memref<1x2x4096xf32, #tpu.memory_space<hbm>> -> memref<2x4096xf32, #tpu.memory_space<hbm>>
    tpu.wait_dma2 semaphore(%arg27 : memref<!tpu.dma_semaphore, #tpu.memory_space<semaphore_mem>>) src(%arg9 : memref<2x4096xf32, #tpu.memory_space<vmem>>) dst(%dma_wait3A_56 : memref<2x4096xf32, #tpu.memory_space<hbm>>)
    %add3A_57 = arith.constant 126 : i32
    %add3A_58 = arith.addi %mul3A_2, %add3A_57 : i32
    %dma_wait3A_59 = arith.constant 1 : i32
    %dma_wait3A_60 = arith.constant 0 : i32
    %dma_wait3A_61 = tpu.memref_slice %arg4[%dma_wait3A_59, %add3A_58, %dma_wait3A_60] : memref<4x4096x4096xf32, #tpu.memory_space<hbm>> -> memref<1x2x4096xf32, #tpu.memory_space<hbm>>
    %dma_wait3A_62 = tpu.memref_squeeze %dma_wait3A_61 : memref<1x2x4096xf32, #tpu.memory_space<hbm>> -> memref<2x4096xf32, #tpu.memory_space<hbm>>
    %dma_wait3A_63 = arith.constant 0 : i32
    %dma_wait3A_64 = tpu.memref_slice %arg4[%dma_wait3A_59, %add3A_58, %dma_wait3A_63] : memref<4x4096x4096xf32, #tpu.memory_space<hbm>> -> memref<1x2x4096xf32, #tpu.memory_space<hbm>>
    %dma_wait3A_65 = tpu.memref_squeeze %dma_wait3A_64 : memref<1x2x4096xf32, #tpu.memory_space<hbm>> -> memref<2x4096xf32, #tpu.memory_space<hbm>>
    tpu.wait_dma2 semaphore(%arg28 : memref<!tpu.dma_semaphore, #tpu.memory_space<semaphore_mem>>) src(%arg10 : memref<2x4096xf32, #tpu.memory_space<vmem>>) dst(%dma_wait3A_65 : memref<2x4096xf32, #tpu.memory_space<hbm>>)
    %add3A_66 = arith.constant 126 : i32
    %add3A_67 = arith.addi %mul3A_2, %add3A_66 : i32
    %dma_wait3A_68 = arith.constant 2 : i32
    %dma_wait3A_69 = arith.constant 0 : i32
    %dma_wait3A_70 = tpu.memref_slice %arg4[%dma_wait3A_68, %add3A_67, %dma_wait3A_69] : memref<4x4096x4096xf32, #tpu.memory_space<hbm>> -> memref<1x2x4096xf32, #tpu.memory_space<hbm>>
    %dma_wait3A_71 = tpu.memref_squeeze %dma_wait3A_70 : memref<1x2x4096xf32, #tpu.memory_space<hbm>> -> memref<2x4096xf32, #tpu.memory_space<hbm>>
    %dma_wait3A_72 = arith.constant 0 : i32
    %dma_wait3A_73 = tpu.memref_slice %arg4[%dma_wait3A_68, %add3A_67, %dma_wait3A_72] : memref<4x4096x4096xf32, #tpu.memory_space<hbm>> -> memref<1x2x4096xf32, #tpu.memory_space<hbm>>
    %dma_wait3A_74 = tpu.memref_squeeze %dma_wait3A_73 : memref<1x2x4096xf32, #tpu.memory_space<hbm>> -> memref<2x4096xf32, #tpu.memory_space<hbm>>
    tpu.wait_dma2 semaphore(%arg29 : memref<!tpu.dma_semaphore, #tpu.memory_space<semaphore_mem>>) src(%arg11 : memref<2x4096xf32, #tpu.memory_space<vmem>>) dst(%dma_wait3A_74 : memref<2x4096xf32, #tpu.memory_space<hbm>>)
    %add3A_75 = arith.constant 126 : i32
    %add3A_76 = arith.addi %mul3A_2, %add3A_75 : i32
    %dma_wait3A_77 = arith.constant 3 : i32
    %dma_wait3A_78 = arith.constant 0 : i32
    %dma_wait3A_79 = tpu.memref_slice %arg4[%dma_wait3A_77, %add3A_76, %dma_wait3A_78] : memref<4x4096x4096xf32, #tpu.memory_space<hbm>> -> memref<1x2x4096xf32, #tpu.memory_space<hbm>>
    %dma_wait3A_80 = tpu.memref_squeeze %dma_wait3A_79 : memref<1x2x4096xf32, #tpu.memory_space<hbm>> -> memref<2x4096xf32, #tpu.memory_space<hbm>>
    %dma_wait3A_81 = arith.constant 0 : i32
    %dma_wait3A_82 = tpu.memref_slice %arg4[%dma_wait3A_77, %add3A_76, %dma_wait3A_81] : memref<4x4096x4096xf32, #tpu.memory_space<hbm>> -> memref<1x2x4096xf32, #tpu.memory_space<hbm>>
    %dma_wait3A_83 = tpu.memref_squeeze %dma_wait3A_82 : memref<1x2x4096xf32, #tpu.memory_space<hbm>> -> memref<2x4096xf32, #tpu.memory_space<hbm>>
    tpu.wait_dma2 semaphore(%arg30 : memref<!tpu.dma_semaphore, #tpu.memory_space<semaphore_mem>>) src(%arg12 : memref<2x4096xf32, #tpu.memory_space<vmem>>) dst(%dma_wait3A_83 : memref<2x4096xf32, #tpu.memory_space<hbm>>)
    return
  }
}

</mosaic_0001>

<sc_bundles>
// kernel: kernel.3.cloned.1.call-start
scs
__scs_entry_jumppad:
0x0: {  	(pc) =	sbr.rel $0x88, $3  }
0x1: {  	(tag) =	ssettag $0x0;
	lr =	simm.s32 $0x1  }
0x2: {  	[smem:$0x3F9F] =	sst lr;
	_ =	strace $0xD0000000  }
0x3: {  	_ = 	snop  }
0x4: {  	_ = 	snop  }
0x5: {  	_ = 	snop  }
0x6: {  	_ = 	snop  }
0x7: {  	_ = 	snop  }
__scs_overlays_trampoline_lowered:
0x8: {  	[smem:$0x3FAE] =	sst s0  }
0x9: {  	[smem:$0x3FAF] =	sst s1  }
0xa: {  	[smem:$0x3FB0] =	sst s2  }
0xb: {  	[smem:$0x3FB1] =	sst s3  }
0xc: {  	[smem:$0x3FB2] =	sst s4  }
0xd: {  	[smem:$0x3FB3] =	sst s5  }
0xe: {  	[smem:$0x3FB4] =	sst s6  }
0xf: {  	[smem:$0x3FB5] =	sst s7  }
0x10: {  	[smem:$0x3FB6] =	sst s8  }
0x11: {  	[smem:$0x3FB7] =	sst s9;
	s0 =	simm.s32 @!p0 $0x0  }
0x12: {  	s1 =	sld [smem:$0x3F9D];
	s0 =	simm.s32 @p0 $0x1  }
0x13: {  	[smem:$0x3FB8] =	sst s0;
	s0 =	simm.s32 @!p1 $0x0  }
0x14: {  	s2 =	sld [smem:$0x3F9C];
	s0 =	simm.s32 @p1 $0x1  }
0x15: {  	[smem:$0x3FB9] =	sst s0;
	s0 =	simm.s32 @!p2 $0x0  }
0x16: {  	s3 =	sld [smem:$0x3FDB];
	s0 =	simm.s32 @p2 $0x1  }
0x17: {  	s4 =	simm.s32 $0x1BF5;
	[smem:$0x3FBB] =	sst s0  }
0x18: {  	s0 =	sld [smem:$0x3F9E];
	_ =	swait.ge [sflag:s4], $0x0  }
0x19: {  	s7 =	sld [smem:$0x3F9F]  }
0x1a: {  	s8 =	sadd.s32 $0xFFFFE003, lr  }
0x1b: {  	s9 =	sadd.s32 $0xFFFFFEF7, lr;
	s5 =	simm.s32 $0xFFFFFFFF;
	p2 =	slt.u32 s8, $0xFFFFF086  }
0x1c: {  	p1 =	slt.u32 s9, $0xF7A;
	s5 =	simm.s32 @!p2 $0x0  }
0x1d: {  	s5 =	simm.s32 @p1 $0x1;
	p0 =	seq.s32 s7, s2  }
0x1e: {  	s7 =	smul.u32 @!p0 $0xF7A, s2;
	p2 =	seq.s32 @!p0 s5, $0x0  }
0x1f: {  	s9 =	smul.u32 $0xF7A, s1;
	s8 =	simm.s32 @!p0 $0x1BF5;
	p2 =	por !p2, p0  }
0x20: {  	[sflag:s8] =	ssyncset.s32 @!p0 $0xFFFFF086;
	s6 =	sadd.s32 @!p0 s3, s7;
	s7 =	simm.s32 @!p0 $0x108  }
0x21: {  	s3 =	sadd.s32 s3, s9;
	s6 =	sadd.s32 @!p0 $0x88, s6;
	s7 =	simm.s32 @p2 $0x1082  }
0x22: {  	[simem:s7], [sflag:s8] =	dma.local @!p0 [hbm:s6], $0xF7A  }
0x23: {  	s9 =	sor.u32 $0xD0000000, s2;
	s6 =	simm.s32 $0x108;
	_ =	swait.ge @!p0 [sflag:s8], $0x0  }
0x24: {  	s3 =	sadd.s32 $0x88, s3;
	s6 =	simm.s32 @!p1 $0x1082;
	[sflag:s4] =	ssyncset.s32 $0xFFFFF086  }
0x25: {  	[simem:s6], [sflag:s4] =	dma.local [hbm:s3], $0xF7A  }
0x26: {  	[smem:$0x3F9F] =	sst s1;
	(tag) =	ssettag s2;
	_ =	strace s9  }
0x27: {  	s1 =	sld [smem:$0x3FAF]  }
0x28: {  	s2 =	sld [smem:$0x3FB0]  }
0x29: {  	s4 =	sld [smem:$0x3FB2]  }
0x2a: {  	p0 =	seq.s32 s5, $0x0;
	s5 =	sld [smem:$0x3FB3]  }
0x2b: {  	s6 =	sld [smem:$0x3FB4]  }
0x2c: {  	s7 =	sld [smem:$0x3FB5]  }
0x2d: {  	s3 =	simm.s32 $0x108;
	s8 =	sld [smem:$0x3FB6]  }
0x2e: {  	s3 =	simm.s32 @!p0 $0x1082;
	s9 =	sld [smem:$0x3FB7]  }
0x2f: {  	lr =	sadd.s32 s0, s3;
	s0 =	sld [smem:$0x3FAE]  }
0x30: {  	s3 =	sld [smem:$0x3FB1]  }
0x31: {  	[smem:$0x3FBA] =	sst s10  }
0x32: {  	s10 =	sld [smem:$0x3FB8];
	_ =	sdelay $0x3  }
0x33: {  	p0 =	seq.s32 s10, $0x1;
	s10 =	sld [smem:$0x3FBA];
	_ =	sdelay $0x3  }
0x34: {  	[smem:$0x3FBA] =	sst s10  }
0x35: {  	s10 =	sld [smem:$0x3FB9];
	_ =	sdelay $0x3  }
0x36: {  	p1 =	seq.s32 s10, $0x1;
	s10 =	sld [smem:$0x3FBA];
	_ =	sdelay $0x3  }
0x37: {  	[smem:$0x3FBA] =	sst s10  }
0x38: {  	s10 =	sld [smem:$0x3FBB]  }
0x39: {  	_ = 	snop;
	(pc) =	sbr.ind lr, $3  }
0x3a: {  	_ = 	snop  }
0x3b: {  	_ = 	snop  }
0x3c: {  	p2 =	seq.s32 s10, $0x1;
	s10 =	sld [smem:$0x3FBA]  }
0x3d: {  	_ =	shalt  }
0x3e: {  	_ =	shalt  }
0x3f: {  	_ =	shalt  }
0x40: {  	_ =	shalt  }
0x41: {  	_ =	shalt  }
0x42: {  	_ =	shalt  }
0x43: {  	_ =	shalt  }
0x44: {  	_ =	shalt  }
0x45: {  	_ =	shalt  }
0x46: {  	_ =	shalt  }
0x47: {  	_ =	shalt  }
0x48: {  	_ =	shalt  }
0x49: {  	_ =	shalt  }
0x4a: {  	_ =	shalt  }
0x4b: {  	_ =	shalt  }
0x4c: {  	_ =	shalt  }
0x4d: {  	_ =	shalt  }
0x4e: {  	_ =	shalt  }
0x4f: {  	_ =	shalt  }
0x50: {  	_ =	shalt  }
0x51: {  	_ =	shalt  }
0x52: {  	_ =	shalt  }
0x53: {  	_ =	shalt  }
0x54: {  	_ =	shalt  }
0x55: {  	_ =	shalt  }
0x56: {  	_ =	shalt  }
0x57: {  	_ =	shalt  }
0x58: {  	_ =	shalt  }
0x59: {  	_ =	shalt  }
0x5a: {  	_ =	shalt  }
0x5b: {  	_ =	shalt  }
0x5c: {  	_ =	shalt  }
0x5d: {  	_ =	shalt  }
0x5e: {  	_ =	shalt  }
0x5f: {  	_ =	shalt  }
0x60: {  	_ =	shalt  }
0x61: {  	_ =	shalt  }
0x62: {  	_ =	shalt  }
0x63: {  	_ =	shalt  }
0x64: {  	_ =	shalt  }
0x65: {  	_ =	shalt  }
0x66: {  	_ =	shalt  }
0x67: {  	_ =	shalt  }
0x68: {  	_ =	shalt  }
0x69: {  	_ =	shalt  }
0x6a: {  	_ =	shalt  }
0x6b: {  	_ =	shalt  }
0x6c: {  	_ =	shalt  }
0x6d: {  	_ =	shalt  }
0x6e: {  	_ =	shalt  }
0x6f: {  	_ =	shalt  }
0x70: {  	_ =	shalt  }
0x71: {  	_ =	shalt  }
0x72: {  	_ =	shalt  }
0x73: {  	_ =	shalt  }
0x74: {  	_ =	shalt  }
0x75: {  	_ =	shalt  }
0x76: {  	_ =	shalt  }
0x77: {  	_ =	shalt  }
0x78: {  	_ =	shalt  }
0x79: {  	_ =	shalt  }
0x7a: {  	_ =	shalt  }
0x7b: {  	_ =	shalt  }
0x7c: {  	_ =	shalt  }
0x7d: {  	_ =	shalt  }
0x7e: {  	_ =	shalt  }
0x7f: {  	_ =	shalt  }
0x80: {  	_ =	shalt  }
0x81: {  	_ =	shalt  }
0x82: {  	_ =	shalt  }
0x83: {  	_ =	shalt  }
0x84: {  	_ =	shalt  }
0x85: {  	_ =	shalt  }
0x86: {  	_ =	shalt  }
0x87: {  	_ =	shalt  }
.Lfunc_end0:
.L_simem_size_0:
called_computation_lowered:
.L_overlay_start_0:
0x88: {  	s2 =	sld [smem:$0x3FD9]  }
0x89: {  	s3 =	sld [smem:$0x3FFE];
	_ =	sdelay $0x1  }
0x8a: {  	s1 =	srdreg.scid  }
0x8b: {  	s0 =	sand.u32 $0x1, s1  }
0x8c: {  	s18 =	sshll.u32 s0, $0xA;
	s2 =	sadd.s32 s3, s2  }
0x8d: {  	s2 =	sadd.s32 s2, s18  }
0x8e: {  	[smem:$0x3FC6] =	sst s2  }
0x8f: {  	_ = 	snop  }
0x90: {  	s2 =	sld [smem:$0x3FC9]  }
0x91: {  	s19 =	sld [smem:$0x3FC8]  }
0x92: {  	s4 =	sld [smem:$0x3FD0];
	(tm) =	ssettm $0x1  }
0x93: {  	s5 =	sld [smem:$0x3FFB];
	_ =	sdelay $0x3  }
0x94: {  	_ =	strace s5  }
0x95: {  	s5 =	sld [smem:$0x3FFC];
	_ =	sdelay $0x3  }
0x96: {  	_ =	strace s5  }
0x97: {  	s5 =	sld [smem:$0x3FFD];
	_ =	sdelay $0x3  }
0x98: {  	_ =	strace s5  }
0x99: {  	_ =	strace $0x8FFFFFFF  }
0x9a: {  	s20 =	sld [smem:$0x3FDB];
	_ =	sdelay $0x1  }
0x9b: {  	s6 =	simm.s32 $_scs_section_size  }
0x9c: {  	s7 =	simm.s32 $_size__tile_overlayer_lowered;
	s8 =	simm.s32 $_tile_overlayer_lowered  }
0x9d: {  	s23 =	simm.s32 $0x1BFF;
	s22 =	sshll.u32 s8, $0x1;
	s5 =	sadd.s32 s6, s20  }
0x9e: {  	s9 =	simm.s32 $0x0;
	s21 =	sshll.u32 s7, $0x1;
	s7 =	sadd.s32 s22, s5  }
0x9f: {  	[timem:s9], [sflag:s23] =	dma.local [hbm:s7], s21  }
0xa0: {  	_ =	swait.ge [sflag:s23], s21  }
0xa1: {  	s6 =	ssub.s32 $0x0, s21;
	[sflag:s23] =	ssyncset.done $0x0  }
0xa2: {  	[sflag:s23] =	ssyncadd.s32 s6;
	_ =	sdelay $0x1  }
0xa3: {  	s24 =	simm.s32 $0x1B8B  }
0xa4: {  	_ =	swait.ge [sflag:s24], $0x1  }
0xa5: {  	[sflag:s24] =	ssyncset.done $0x0  }
0xa6: {  	s25 =	simm.s32 $0x1B8E;
	[sflag:s24] =	ssyncadd.s32 $0xFFFFFFFF  }
0xa7: {  	s26 =	simm.s32 $execute0_lowered;
	[smem:$0x3FD2] =	sst s25  }
0xa8: {  	s6 =	sshll.u32 s26, $0x1;
	_ =	strace $0x80000046;
	[dreg:$0x1] =	wrdreg $0xFFFFFFFF  }
0xa9: {  	s28 =	simm.s32 $_size_execute0_lowered;
	s5 =	sadd.s32 s5, s6;
	[dreg:$0x0] =	wrdreg $0x0  }
0xaa: {  	s6 =	sshll.u32 s28, $0x1;
	[dreg:$0x2] =	wrdreg s5  }
0xab: {  	[dreg:$0x3] =	wrdreg s6  }
0xac: {  	[dreg:$0x4] =	wrdreg $0xC0  }
0xad: {  	_ =	task [dreg:s9], $0x5FFFF  }
0xae: {  	[dreg:$0x1] =	wrdreg $0xFFFFFFFF  }
0xaf: {  	[dreg:$0x0] =	wrdreg $0x60  }
0xb0: {  	[dreg:$0x2] =	wrdreg s2  }
0xb1: {  	[dreg:$0x3] =	wrdreg s19  }
0xb2: {  	[dreg:$0x4] =	wrdreg s4  }
0xb3: {  	[dreg:$0x5] =	wrdreg $0x9  }
0xb4: {  	_ =	task.clear_ibuf [dreg:s9], $0x6FFFF;
	_ =	strace $0x90000046  }
0xb5: {  	s29 =	simm.s32 $0x9;
	_ =	strace $0x80000048  }
0xb6: {  	_ =	swait.ge [sflag:s29], $0x1  }
0xb7: {  	[sflag:s29] =	ssyncadd.s32 $0xFFFFFFFF  }
0xb8: {  	_ =	strace $0x90000048  }
0xb9: {  	_ =	sfence  }
0xba: {  	s30 =	sld [smem:$0x0];
	_ =	sdelay $0x2  }
0xbb: {  	s31 =	sshll.u32 s1, $0xD;
	s1 =	sshrl.u32 s1, $0x2  }
0xbc: {  	s3 =	sand.u32 $0x4000, s31;
	s1 =	sadd.s32 s1, s30  }
0xbd: {  	s0 =	sor.u32 s3, s0;
	s1 =	sshll.u32 s1, $0x11  }
0xbe: {  	s0 =	sor.u32 s1, s0  }
0xbf: {  	s0 =	sadd.s32 $0x8F2B, s0  }
0xc0: {  	[sflag:s0] =	ssyncadd.remote.s32 $0x1  }
0xc1: {  	_ =	sfence.sel $0xFFFF  }
0xc2: {  	[dreg:$0x0] =	wrdreg $0xFFFFFFFF;
	(pc) =	sbr.abs _section_cstart, $3  }
0xc3: {  	[dreg:$0x1] =	wrdreg $0xFFFFFFFF  }
0xc4: {  	_ =	task.clear_ibuf [dreg:s9], $0x2FFFF;
	_ =	strace $0x9FFFFFFF  }
0xc5: {  	(tm) =	ssettm $0x7FFFFFFF  }
tec
execute0_lowered:
.L_overlay_start_1:
0x0: {  	(tag) =	ssettag $0x1  }
0x1: {  	s31 =	rddreg [dreg:$0x0]  }
0x2: {  	s12 =	rddreg [dreg:$0x1]  }
0x3: {  	s3 =	rddreg [dreg:$0x2]  }
0x4: {  	s1 =	simm.s32 $0x0;
	s0 =	srdreg.scid;
	s2 =	stileid.u32  }
0x5: {  	s30 =	simm.s32 $0x1;
	s10 =	simm.s32 $0x4;
	s15 =	simm.s32 $0x12  }
0x6: {  	s29 =	simm.s32 $0x6;
	s5 =	simm.s32 $0xA;
	s14 =	simm.s32 $0x8  }
0x7: {  	s7 =	simm.s32 $0x0;
	[smem:$0x7FF] =	sst s1;
	s21 =	sadd.s32 $0x200000, s31  }
0x8: {  	s22 =	sadd.s32 $0x400000, s31;
	_ =	strace $0x80000047;
	[dreg:$0x7] =	wrdreg s21  }
0x9: {  	s0 =	sand.u32 $0x1, s0;
	s23 =	sadd.s32 $0x600000, s31;
	[dreg:$0x9] =	wrdreg s22  }
0xa: {  	s2 =	sshll.u32 s2, $0x8;
	s25 =	sadd.s32 $0x200020, s31;
	[dreg:$0xa] =	wrdreg s23  }
0xb: {  	s26 =	sadd.s32 $0x400020, s31;
	s28 =	sadd.s32 $0x600020, s31;
	[dreg:$0xd] =	wrdreg s25  }
0xc: {  	s16 =	ssub.s32 $0x2, s0;
	s0 =	sshll.u32 s0, $0x7;
	[dreg:$0xe] =	wrdreg s26  }
0xd: {  	[dreg:$0xf] =	wrdreg s28;
	s26 =	simm.s32 $0x6000;
	s25 =	simm.s32 $0xB  }
0xe: {  	s4 =	sshrl.u32 s16, $0x1;
	s6 =	sor.u32 s0, s2;
	s2 =	simm.s32 $0xC  }
0xf: {  	s17 =	ssub.s32 s16, s4;
	s18 =	sshll.u32 s6, $0xC;
	s8 =	sshll.u32 s6, $0x9  }
0x10: {  	s16 =	simm.s32 $0x5;
	[dreg:$0x4] =	wrdreg s18;
	s19 =	sadd.s32 s12, s8  }
0x11: {  	s20 =	sadd.s32 s31, s8;
	s1 =	sadd.s32 s8, s21;
	[dreg:$0x5] =	wrdreg s19  }
.Ltmp0:
0x12: {  	s24 =	sadd.s32 s8, s23;
	[dreg:$0x6] =	wrdreg s20;
	(pc) =	sbr.rel .LBB2_1-.Ltmp0, $4  }
0x13: {  	s0 =	smax.u32 s17, $0x1;
	s21 =	simm.s32 $0x100;
	[dreg:$0x8] =	wrdreg s1  }
0x14: {  	s23 =	simm.s32 $0x3;
	s1 =	sadd.s32 s8, s22;
	[dreg:$0xc] =	wrdreg s24  }
0x15: {  	[dreg:$0x10] =	wrdreg s0;
	s22 =	simm.s32 $0x400;
	s0 =	simm.s32 $0x2  }
0x16: {  	s20 =	simm.s32 $0x9;
	s24 =	simm.s32 $0x7;
	[dreg:$0xb] =	wrdreg s1  }
.LBB2_20:
0x17: {  	s1 =	simm.s32 $0xD  }
0x18: {  	_ =	swait.ge [sflag:s1], $0x2000  }
0x19: {  	[sflag:s1] =	ssyncset.done $0x0  }
0x1a: {  	s18 =	simm.s32 $0xE;
	[sflag:s1] =	ssyncadd.s32 $0xFFFFE000  }
0x1b: {  	_ =	swait.ge [sflag:s18], $0x2000  }
0x1c: {  	[sflag:s18] =	ssyncset.done $0x0  }
0x1d: {  	s19 =	simm.s32 $0xF;
	[sflag:s18] =	ssyncadd.s32 $0xFFFFE000  }
0x1e: {  	_ =	swait.ge [sflag:s19], $0x2000  }
0x1f: {  	[sflag:s19] =	ssyncset.done $0x0  }
0x20: {  	s4 =	simm.s32 $0x10;
	[sflag:s19] =	ssyncadd.s32 $0xFFFFE000  }
0x21: {  	_ =	swait.ge [sflag:s4], $0x2000  }
0x22: {  	s7 =	rddreg [dreg:$0x11]  }
0x23: {  	s28 =	rddreg [dreg:$0x10];
	s7 =	sadd.s32 $0x1, s7  }
0x24: {  	p0 =	sne.s32 s7, s28  }
.Ltmp1:
0x25: {  	_ = 	snop;
	(pc) =	sbr.rel @!p0 .LBB2_21-.Ltmp1, $3  }
0x26: {  	_ =	sdelay $0x1  }
0x27: {  	[sflag:s4] =	ssyncset.done $0x0  }
0x28: {  	[sflag:s4] =	ssyncadd.s32 $0xFFFFE000  }
.LBB2_1:
0x29: {  	[dreg:$0x11] =	wrdreg s7  }
0x2a: {  	s1 =	rddreg [dreg:$0x5];
	s4 =	simm.s32 $0x10000  }
0x2b: {  	[tilespmem:s4], [sflag:$0x11] =	stream.strided.gather [hbm4b:s1+s21], $0x2000, s22, s21, $0x38;
	[tilespmem:$0x14000] =	vst v63  }
0x2c: {  	s9 =	simm.s32 $0x0;
	s11 =	rddreg [dreg:$0x6]  }
0x2d: {  	[tilespmem:s9], [sflag:$0x1] =	stream.strided.gather [hbm4b:s11+s21], $0x2000, s22, s21, $0x38;
	[tilespmem:$0x14000] =	vst v63  }
0x2e: {  	s13 =	rddreg [dreg:$0x8];
	s17 =	simm.s32 $0x2000  }
0x2f: {  	[tilespmem:s17], [sflag:$0x2] =	stream.strided.gather [hbm4b:s13+s21], $0x2000, s22, s21, $0x38;
	[tilespmem:$0x14000] =	vst v63  }
0x30: {  	s18 =	rddreg [dreg:$0xb];
	s19 =	simm.s32 $0x4000  }
0x31: {  	[tilespmem:s19], [sflag:$0x3] =	stream.strided.gather [hbm4b:s18+s21], $0x2000, s22, s21, $0x38;
	[tilespmem:$0x14000] =	vst v63  }
0x32: {  	s28 =	rddreg [dreg:$0xc];
	s1 =	simm.s32 $0x0  }
0x33: {  	[tilespmem:s26], [sflag:$0x4] =	stream.strided.gather [hbm4b:s28+s21], $0x2000, s22, s21, $0x38;
	[tilespmem:$0x14000] =	vst v63  }
.LBB2_2:
0x34: {  	s4 =	sshll.u32 s1, $0xB  }
0x35: {  	s11 =	sshllo.u32 s1, $0x1;
	s9 =	simm.s32 $0x11;
	s4 =	sand.u32 $0xF000, s4  }
0x36: {  	_ =	swait.ge [sflag:s9], $0x2000;
	s19 =	sshll.u32 s11, $0x5;
	s18 =	sor.u32 s8, s4  }
0x37: {  	[sflag:s9] =	ssyncset.done $0x0;
	s4 =	sand.u32 $0x60, s19;
	s7 =	sadd.s32 s12, s18  }
0x38: {  	s26 =	simm.s32 $0x12000;
	[sflag:s9] =	ssyncadd.s32 $0xFFFFE000;
	s4 =	sadd.s32 s4, s7  }
0x39: {  	[tilespmem:s26], [sflag:$0x12] =	stream.strided.gather [hbm4b:s4+s21], $0x2000, s22, s21, $0x38;
	[tilespmem:$0x14000] =	vst v63  }
0x3a: {  	_ =	swait.ge [sflag:s30], $0x2000  }
0x3b: {  	[sflag:s30] =	ssyncset.done $0x0  }
0x3c: {  	s7 =	simm.s32 $0x0;
	[sflag:s30] =	ssyncadd.s32 $0xFFFFE000  }
0x3d: {  	v0 =	vld [tilespmem:s7+$0x100F0]  }
0x3e: {  	v1 =	vld [tilespmem:s7+$0x10000]  }
0x3f: {  	v2 =	vld [tilespmem:s7+$0x10080]  }
0x40: {  	v3 =	vld [tilespmem:s7+$0x10010]  }
0x41: {  	v4 =	vld [tilespmem:s7+$0x10090]  }
0x42: {  	v5 =	vld [tilespmem:s7+$0x10020]  }
0x43: {  	v6 =	vld [tilespmem:s7+$0x100A0]  }
0x44: {  	v7 =	vld [tilespmem:s7+$0x10030]  }
0x45: {  	v8 =	vld [tilespmem:s7+$0x100B0]  }
0x46: {  	v9 =	vld [tilespmem:s7+$0x10040]  }
0x47: {  	v10 =	vld [tilespmem:s7+$0x100C0]  }
0x48: {  	v11 =	vld [tilespmem:s7+$0x10050]  }
0x49: {  	v12 =	vld [tilespmem:s7+$0x100D0]  }
0x4a: {  	v13 =	vld [tilespmem:s7+$0x10060]  }
0x4b: {  	v14 =	vld [tilespmem:s7+$0x100E0]  }
0x4c: {  	[tilespmem:s7+$0xF0] =	vst.add.f32.msk $0xffff, v0  }
0x4d: {  	v0 =	vld [tilespmem:s7+$0x10070]  }
0x4e: {  	[tilespmem:s7+$0x0] =	vst.add.f32.msk $0xffff, v1  }
0x4f: {  	[tilespmem:s7+$0x80] =	vst.add.f32.msk $0xffff, v2  }
0x50: {  	[tilespmem:s7+$0x10] =	vst.add.f32.msk $0xffff, v3  }
0x51: {  	[tilespmem:s7+$0x90] =	vst.add.f32.msk $0xffff, v4  }
0x52: {  	[tilespmem:s7+$0x20] =	vst.add.f32.msk $0xffff, v5  }
0x53: {  	[tilespmem:s7+$0xA0] =	vst.add.f32.msk $0xffff, v6  }
0x54: {  	[tilespmem:s7+$0x30] =	vst.add.f32.msk $0xffff, v7  }
0x55: {  	[tilespmem:s7+$0xB0] =	vst.add.f32.msk $0xffff, v8  }
0x56: {  	[tilespmem:s7+$0x40] =	vst.add.f32.msk $0xffff, v9  }
0x57: {  	[tilespmem:s7+$0xC0] =	vst.add.f32.msk $0xffff, v10  }
0x58: {  	[tilespmem:s7+$0x50] =	vst.add.f32.msk $0xffff, v11  }
0x59: {  	[tilespmem:s7+$0xD0] =	vst.add.f32.msk $0xffff, v12  }
0x5a: {  	s28 =	smov.u32 s12;
	[tilespmem:s7+$0x60] =	vst.add.f32.msk $0xffff, v13  }
0x5b: {  	s13 =	sshll.u32 s1, $0x1;
	s17 =	simm.s32 $0x0;
	s4 =	simm.s32 $0x400;
	[tilespmem:s7+$0xE0] =	vst.add.f32.msk $0xffff, v14  }
.LBB2_3:
0x5c: {  	s17 =	sadd.s32 $0x8, s17;
	[tilespmem:s7+$0x70] =	vst.add.f32.msk $0xffff, v0;
	s7 =	sshra.s32 s4, $0x2  }
0x5d: {  	v0 =	vld [tilespmem:s7+$0x100F0];
	p0 =	slt.u32 s17, $0xF8  }
0x5e: {  	v1 =	vld [tilespmem:s7+$0x10000]  }
0x5f: {  	v2 =	vld [tilespmem:s7+$0x10080]  }
0x60: {  	v3 =	vld [tilespmem:s7+$0x10010]  }
0x61: {  	v4 =	vld [tilespmem:s7+$0x10090]  }
0x62: {  	[tilespmem:s7+$0xF0] =	vst.add.f32.msk $0xffff, v0  }
0x63: {  	v5 =	vld [tilespmem:s7+$0x10020]  }
0x64: {  	v6 =	vld [tilespmem:s7+$0x100A0]  }
0x65: {  	v7 =	vld [tilespmem:s7+$0x10030]  }
0x66: {  	v8 =	vld [tilespmem:s7+$0x100B0]  }
0x67: {  	v9 =	vld [tilespmem:s7+$0x10040]  }
0x68: {  	v10 =	vld [tilespmem:s7+$0x100C0]  }
0x69: {  	v11 =	vld [tilespmem:s7+$0x10050]  }
0x6a: {  	v12 =	vld [tilespmem:s7+$0x100D0]  }
0x6b: {  	v13 =	vld [tilespmem:s7+$0x10060]  }
0x6c: {  	v14 =	vld [tilespmem:s7+$0x100E0]  }
0x6d: {  	v0 =	vld [tilespmem:s7+$0x10070]  }
0x6e: {  	[tilespmem:s7+$0x0] =	vst.add.f32.msk $0xffff, v1  }
0x6f: {  	[tilespmem:s7+$0x80] =	vst.add.f32.msk $0xffff, v2  }
0x70: {  	[tilespmem:s7+$0x10] =	vst.add.f32.msk $0xffff, v3  }
0x71: {  	[tilespmem:s7+$0x90] =	vst.add.f32.msk $0xffff, v4  }
0x72: {  	[tilespmem:s7+$0x20] =	vst.add.f32.msk $0xffff, v5  }
0x73: {  	[tilespmem:s7+$0xA0] =	vst.add.f32.msk $0xffff, v6  }
0x74: {  	[tilespmem:s7+$0x30] =	vst.add.f32.msk $0xffff, v7  }
0x75: {  	[tilespmem:s7+$0xB0] =	vst.add.f32.msk $0xffff, v8  }
0x76: {  	[tilespmem:s7+$0x40] =	vst.add.f32.msk $0xffff, v9  }
.Ltmp2:
0x77: {  	[tilespmem:s7+$0xC0] =	vst.add.f32.msk $0xffff, v10;
	(pc) =	sbr.rel @p0 .LBB2_3-.Ltmp2, $4  }
0x78: {  	[tilespmem:s7+$0x50] =	vst.add.f32.msk $0xffff, v11  }
0x79: {  	[tilespmem:s7+$0xD0] =	vst.add.f32.msk $0xffff, v12  }
0x7a: {  	[tilespmem:s7+$0x60] =	vst.add.f32.msk $0xffff, v13  }
0x7b: {  	s4 =	sadd.s32 $0x400, s4;
	[tilespmem:s7+$0xE0] =	vst.add.f32.msk $0xffff, v14  }
0x7c: {  	s4 =	sshll.u32 s1, $0xE  }
0x7d: {  	s9 =	sshll.u32 s1, $0x9;
	s12 =	rddreg [dreg:$0x4];
	s4 =	sand.u32 $0x78000, s4  }
0x7e: {  	s9 =	sand.u32 $0x200, s9;
	s17 =	sor.u32 s12, s4  }
0x7f: {  	p0 =	seq.s32 s1, $0x0;
	s4 =	sor.u32 s9, s17  }
0x80: {  	[tilespmem:s7+$0x70] =	vst.add.f32.msk $0xffff, v0;
	s26 =	sshll.u32 s1, $0x6;
	s7 =	simm.s32 @!p0 $0xD;
	s19 =	sshrl.u32 s4, $0x3  }
0x81: {  	s26 =	sand.u32 $0x40, s26;
	s12 =	simm.s32 $0x0;
	s4 =	sadd.s32 s3, s19  }
0x82: {  	[hbm4b:s4+s21] =	stream.strided.scatter [tilespmem:s12], [sflag:$0x9], $0x2000, s22, s21, $0x38;
	[tilespmem:$0x14000] =	vst v63  }
0x83: {  	s4 =	sadd.s32 s26, s31;
	_ =	swait.ge @!p0 [sflag:s7], $0x2000  }
0x84: {  	s4 =	sadd.s32 s18, s4;
	[sflag:s7] =	ssyncset.done @!p0 $0x0  }
0x85: {  	s9 =	simm.s32 $0x8000;
	s4 =	sadd.s32 $0x20, s4;
	[sflag:s7] =	ssyncadd.s32 @!p0 $0xFFFFE000  }
0x86: {  	[tilespmem:s9], [sflag:$0x5] =	stream.strided.gather [hbm4b:s4+s21], $0x2000, s22, s21, $0x38;
	[tilespmem:$0x14000] =	vst v63  }
0x87: {  	_ =	swait.ge [sflag:s0], $0x2000  }
0x88: {  	[sflag:s0] =	ssyncset.done $0x0  }
0x89: {  	s12 =	smov.u32 s31;
	s31 =	simm.s32 $0x0;
	[sflag:s0] =	ssyncadd.s32 $0xFFFFE000  }
0x8a: {  	v0 =	vld [tilespmem:s31+$0x100F0]  }
0x8b: {  	v1 =	vld [tilespmem:s31+$0x10000]  }
0x8c: {  	v2 =	vld [tilespmem:s31+$0x10080]  }
0x8d: {  	v3 =	vld [tilespmem:s31+$0x10010]  }
0x8e: {  	v4 =	vld [tilespmem:s31+$0x10090]  }
0x8f: {  	v5 =	vld [tilespmem:s31+$0x10020]  }
0x90: {  	v6 =	vld [tilespmem:s31+$0x100A0]  }
0x91: {  	v7 =	vld [tilespmem:s31+$0x10030]  }
0x92: {  	v8 =	vld [tilespmem:s31+$0x100B0]  }
0x93: {  	v9 =	vld [tilespmem:s31+$0x10040]  }
0x94: {  	v10 =	vld [tilespmem:s31+$0x100C0]  }
0x95: {  	v11 =	vld [tilespmem:s31+$0x10050]  }
0x96: {  	v12 =	vld [tilespmem:s31+$0x100D0]  }
0x97: {  	v13 =	vld [tilespmem:s31+$0x10060]  }
0x98: {  	v14 =	vld [tilespmem:s31+$0x100E0]  }
0x99: {  	[tilespmem:s31+$0x20F0] =	vst.add.f32.msk $0xffff, v0  }
0x9a: {  	v0 =	vld [tilespmem:s31+$0x10070]  }
0x9b: {  	[tilespmem:s31+$0x2000] =	vst.add.f32.msk $0xffff, v1  }
0x9c: {  	[tilespmem:s31+$0x2080] =	vst.add.f32.msk $0xffff, v2  }
0x9d: {  	[tilespmem:s31+$0x2010] =	vst.add.f32.msk $0xffff, v3  }
0x9e: {  	[tilespmem:s31+$0x2090] =	vst.add.f32.msk $0xffff, v4  }
0x9f: {  	[tilespmem:s31+$0x2020] =	vst.add.f32.msk $0xffff, v5  }
0xa0: {  	[tilespmem:s31+$0x20A0] =	vst.add.f32.msk $0xffff, v6  }
0xa1: {  	[tilespmem:s31+$0x2030] =	vst.add.f32.msk $0xffff, v7  }
0xa2: {  	[tilespmem:s31+$0x20B0] =	vst.add.f32.msk $0xffff, v8  }
0xa3: {  	[tilespmem:s31+$0x2040] =	vst.add.f32.msk $0xffff, v9  }
0xa4: {  	[tilespmem:s31+$0x20C0] =	vst.add.f32.msk $0xffff, v10  }
0xa5: {  	[tilespmem:s31+$0x2050] =	vst.add.f32.msk $0xffff, v11  }
0xa6: {  	[tilespmem:s31+$0x20D0] =	vst.add.f32.msk $0xffff, v12  }
0xa7: {  	[tilespmem:s31+$0x2060] =	vst.add.f32.msk $0xffff, v13  }
0xa8: {  	s7 =	sshll.u32 s1, $0x3;
	s4 =	simm.s32 $0x0;
	s9 =	simm.s32 $0x400;
	[tilespmem:s31+$0x20E0] =	vst.add.f32.msk $0xffff, v14  }
.LBB2_5:
0xa9: {  	s4 =	sadd.s32 $0x8, s4;
	[tilespmem:s31+$0x2070] =	vst.add.f32.msk $0xffff, v0;
	s31 =	sshra.s32 s9, $0x2  }
0xaa: {  	v0 =	vld [tilespmem:s31+$0x100F0];
	p1 =	slt.u32 s4, $0xF8  }
0xab: {  	v1 =	vld [tilespmem:s31+$0x10000]  }
0xac: {  	v2 =	vld [tilespmem:s31+$0x10080]  }
0xad: {  	v3 =	vld [tilespmem:s31+$0x10010]  }
0xae: {  	v4 =	vld [tilespmem:s31+$0x10090]  }
0xaf: {  	[tilespmem:s31+$0x20F0] =	vst.add.f32.msk $0xffff, v0  }
0xb0: {  	v5 =	vld [tilespmem:s31+$0x10020]  }
0xb1: {  	v6 =	vld [tilespmem:s31+$0x100A0]  }
0xb2: {  	v7 =	vld [tilespmem:s31+$0x10030]  }
0xb3: {  	v8 =	vld [tilespmem:s31+$0x100B0]  }
0xb4: {  	v9 =	vld [tilespmem:s31+$0x10040]  }
0xb5: {  	v10 =	vld [tilespmem:s31+$0x100C0]  }
0xb6: {  	v11 =	vld [tilespmem:s31+$0x10050]  }
0xb7: {  	v12 =	vld [tilespmem:s31+$0x100D0]  }
0xb8: {  	v13 =	vld [tilespmem:s31+$0x10060]  }
0xb9: {  	v14 =	vld [tilespmem:s31+$0x100E0]  }
0xba: {  	v0 =	vld [tilespmem:s31+$0x10070]  }
0xbb: {  	[tilespmem:s31+$0x2000] =	vst.add.f32.msk $0xffff, v1  }
0xbc: {  	[tilespmem:s31+$0x2080] =	vst.add.f32.msk $0xffff, v2  }
0xbd: {  	[tilespmem:s31+$0x2010] =	vst.add.f32.msk $0xffff, v3  }
0xbe: {  	[tilespmem:s31+$0x2090] =	vst.add.f32.msk $0xffff, v4  }
0xbf: {  	[tilespmem:s31+$0x2020] =	vst.add.f32.msk $0xffff, v5  }
0xc0: {  	[tilespmem:s31+$0x20A0] =	vst.add.f32.msk $0xffff, v6  }
0xc1: {  	[tilespmem:s31+$0x2030] =	vst.add.f32.msk $0xffff, v7  }
0xc2: {  	[tilespmem:s31+$0x20B0] =	vst.add.f32.msk $0xffff, v8  }
0xc3: {  	[tilespmem:s31+$0x2040] =	vst.add.f32.msk $0xffff, v9  }
.Ltmp3:
0xc4: {  	[tilespmem:s31+$0x20C0] =	vst.add.f32.msk $0xffff, v10;
	(pc) =	sbr.rel @p1 .LBB2_5-.Ltmp3, $4  }
0xc5: {  	[tilespmem:s31+$0x2050] =	vst.add.f32.msk $0xffff, v11  }
0xc6: {  	[tilespmem:s31+$0x20D0] =	vst.add.f32.msk $0xffff, v12  }
0xc7: {  	[tilespmem:s31+$0x2060] =	vst.add.f32.msk $0xffff, v13  }
0xc8: {  	s9 =	sadd.s32 $0x400, s9;
	[tilespmem:s31+$0x20E0] =	vst.add.f32.msk $0xffff, v14  }
0xc9: {  	s19 =	sadd.s32 s19, s3  }
0xca: {  	[tilespmem:s31+$0x2070] =	vst.add.f32.msk $0xffff, v0;
	s9 =	simm.s32 $0x2000;
	s4 =	sadd.s32 $0x200000, s19  }
0xcb: {  	[hbm4b:s4+s21] =	stream.strided.scatter [tilespmem:s9], [sflag:$0xA], $0x2000, s22, s21, $0x38;
	[tilespmem:$0x14000] =	vst v63  }
0xcc: {  	s4 =	simm.s32 @!p0 $0xE  }
0xcd: {  	_ =	swait.ge @!p0 [sflag:s4], $0x2000  }
0xce: {  	s18 =	sor.u32 s26, s18;
	[sflag:s4] =	ssyncset.done @!p0 $0x0;
	s26 =	rddreg [dreg:$0xd]  }
0xcf: {  	s31 =	simm.s32 $0xA000;
	[sflag:s4] =	ssyncadd.s32 @!p0 $0xFFFFE000;
	s4 =	sadd.s32 s18, s26  }
0xd0: {  	[tilespmem:s31], [sflag:$0x6] =	stream.strided.gather [hbm4b:s4+s21], $0x2000, s22, s21, $0x38;
	[tilespmem:$0x14000] =	vst v63  }
0xd1: {  	_ =	swait.ge [sflag:s23], $0x2000  }
0xd2: {  	[sflag:s23] =	ssyncset.done $0x0  }
0xd3: {  	s26 =	simm.s32 $0x0;
	[sflag:s23] =	ssyncadd.s32 $0xFFFFE000  }
0xd4: {  	v0 =	vld [tilespmem:s26+$0x100F0]  }
0xd5: {  	v1 =	vld [tilespmem:s26+$0x10000]  }
0xd6: {  	v2 =	vld [tilespmem:s26+$0x10080]  }
0xd7: {  	v3 =	vld [tilespmem:s26+$0x10010]  }
0xd8: {  	v4 =	vld [tilespmem:s26+$0x10090]  }
0xd9: {  	v5 =	vld [tilespmem:s26+$0x10020]  }
0xda: {  	v6 =	vld [tilespmem:s26+$0x100A0]  }
0xdb: {  	v7 =	vld [tilespmem:s26+$0x10030]  }
0xdc: {  	v8 =	vld [tilespmem:s26+$0x100B0]  }
0xdd: {  	v9 =	vld [tilespmem:s26+$0x10040]  }
0xde: {  	v10 =	vld [tilespmem:s26+$0x100C0]  }
0xdf: {  	v11 =	vld [tilespmem:s26+$0x10050]  }
0xe0: {  	v12 =	vld [tilespmem:s26+$0x100D0]  }
0xe1: {  	v13 =	vld [tilespmem:s26+$0x10060]  }
0xe2: {  	v14 =	vld [tilespmem:s26+$0x100E0]  }
0xe3: {  	[tilespmem:s26+$0x40F0] =	vst.add.f32.msk $0xffff, v0  }
0xe4: {  	v0 =	vld [tilespmem:s26+$0x10070]  }
0xe5: {  	[tilespmem:s26+$0x4000] =	vst.add.f32.msk $0xffff, v1  }
0xe6: {  	[tilespmem:s26+$0x4080] =	vst.add.f32.msk $0xffff, v2  }
0xe7: {  	[tilespmem:s26+$0x4010] =	vst.add.f32.msk $0xffff, v3  }
0xe8: {  	[tilespmem:s26+$0x4090] =	vst.add.f32.msk $0xffff, v4  }
0xe9: {  	[tilespmem:s26+$0x4020] =	vst.add.f32.msk $0xffff, v5  }
0xea: {  	[tilespmem:s26+$0x40A0] =	vst.add.f32.msk $0xffff, v6  }
0xeb: {  	[tilespmem:s26+$0x4030] =	vst.add.f32.msk $0xffff, v7  }
0xec: {  	[tilespmem:s26+$0x40B0] =	vst.add.f32.msk $0xffff, v8  }
0xed: {  	[tilespmem:s26+$0x4040] =	vst.add.f32.msk $0xffff, v9  }
0xee: {  	[tilespmem:s26+$0x40C0] =	vst.add.f32.msk $0xffff, v10  }
0xef: {  	[tilespmem:s26+$0x4050] =	vst.add.f32.msk $0xffff, v11  }
0xf0: {  	[tilespmem:s26+$0x40D0] =	vst.add.f32.msk $0xffff, v12  }
0xf1: {  	[tilespmem:s26+$0x4060] =	vst.add.f32.msk $0xffff, v13  }
0xf2: {  	s9 =	simm.s32 $0x400;
	s4 =	simm.s32 $0x0;
	[tilespmem:s26+$0x40E0] =	vst.add.f32.msk $0xffff, v14  }
.LBB2_7:
0xf3: {  	s4 =	sadd.s32 $0x8, s4;
	[tilespmem:s26+$0x4070] =	vst.add.f32.msk $0xffff, v0;
	s26 =	sshra.s32 s9, $0x2  }
0xf4: {  	v0 =	vld [tilespmem:s26+$0x100F0];
	p1 =	slt.u32 s4, $0xF8  }
0xf5: {  	v1 =	vld [tilespmem:s26+$0x10000]  }
0xf6: {  	v2 =	vld [tilespmem:s26+$0x10080]  }
0xf7: {  	v3 =	vld [tilespmem:s26+$0x10010]  }
0xf8: {  	v4 =	vld [tilespmem:s26+$0x10090]  }
0xf9: {  	[tilespmem:s26+$0x40F0] =	vst.add.f32.msk $0xffff, v0  }
0xfa: {  	v5 =	vld [tilespmem:s26+$0x10020]  }
0xfb: {  	v6 =	vld [tilespmem:s26+$0x100A0]  }
0xfc: {  	v7 =	vld [tilespmem:s26+$0x10030]  }
0xfd: {  	v8 =	vld [tilespmem:s26+$0x100B0]  }
0xfe: {  	v9 =	vld [tilespmem:s26+$0x10040]  }
0xff: {  	v10 =	vld [tilespmem:s26+$0x100C0]  }
0x100: {  	v11 =	vld [tilespmem:s26+$0x10050]  }
0x101: {  	v12 =	vld [tilespmem:s26+$0x100D0]  }
0x102: {  	v13 =	vld [tilespmem:s26+$0x10060]  }
0x103: {  	v14 =	vld [tilespmem:s26+$0x100E0]  }
0x104: {  	v0 =	vld [tilespmem:s26+$0x10070]  }
0x105: {  	[tilespmem:s26+$0x4000] =	vst.add.f32.msk $0xffff, v1  }
0x106: {  	[tilespmem:s26+$0x4080] =	vst.add.f32.msk $0xffff, v2  }
0x107: {  	[tilespmem:s26+$0x4010] =	vst.add.f32.msk $0xffff, v3  }
0x108: {  	[tilespmem:s26+$0x4090] =	vst.add.f32.msk $0xffff, v4  }
0x109: {  	[tilespmem:s26+$0x4020] =	vst.add.f32.msk $0xffff, v5  }
0x10a: {  	[tilespmem:s26+$0x40A0] =	vst.add.f32.msk $0xffff, v6  }
0x10b: {  	[tilespmem:s26+$0x4030] =	vst.add.f32.msk $0xffff, v7  }
0x10c: {  	[tilespmem:s26+$0x40B0] =	vst.add.f32.msk $0xffff, v8  }
0x10d: {  	[tilespmem:s26+$0x4040] =	vst.add.f32.msk $0xffff, v9  }
.Ltmp4:
0x10e: {  	[tilespmem:s26+$0x40C0] =	vst.add.f32.msk $0xffff, v10;
	(pc) =	sbr.rel @p1 .LBB2_7-.Ltmp4, $4  }
0x10f: {  	[tilespmem:s26+$0x4050] =	vst.add.f32.msk $0xffff, v11  }
0x110: {  	[tilespmem:s26+$0x40D0] =	vst.add.f32.msk $0xffff, v12  }
0x111: {  	[tilespmem:s26+$0x4060] =	vst.add.f32.msk $0xffff, v13  }
0x112: {  	s9 =	sadd.s32 $0x400, s9;
	[tilespmem:s26+$0x40E0] =	vst.add.f32.msk $0xffff, v14  }
0x113: {  	[tilespmem:s26+$0x4070] =	vst.add.f32.msk $0xffff, v0;
	s4 =	sadd.s32 $0x400000, s19;
	s9 =	simm.s32 $0x4000  }
0x114: {  	[hbm4b:s4+s21] =	stream.strided.scatter [tilespmem:s9], [sflag:$0xB], $0x2000, s22, s21, $0x38;
	[tilespmem:$0x14000] =	vst v63  }
0x115: {  	s4 =	simm.s32 @!p0 $0xF  }
0x116: {  	_ =	swait.ge @!p0 [sflag:s4], $0x2000  }
0x117: {  	[sflag:s4] =	ssyncset.done @!p0 $0x0;
	s9 =	rddreg [dreg:$0xe]  }
0x118: {  	s26 =	simm.s32 $0xC000;
	[sflag:s4] =	ssyncadd.s32 @!p0 $0xFFFFE000;
	s4 =	sadd.s32 s18, s9  }
0x119: {  	[tilespmem:s26], [sflag:$0x7] =	stream.strided.gather [hbm4b:s4+s21], $0x2000, s22, s21, $0x38;
	[tilespmem:$0x14000] =	vst v63  }
0x11a: {  	_ =	swait.ge [sflag:s10], $0x2000  }
0x11b: {  	[sflag:s10] =	ssyncset.done $0x0  }
0x11c: {  	s26 =	simm.s32 $0x0;
	[sflag:s10] =	ssyncadd.s32 $0xFFFFE000  }
0x11d: {  	v0 =	vld [tilespmem:s26+$0x100F0]  }
0x11e: {  	v1 =	vld [tilespmem:s26+$0x10000]  }
0x11f: {  	v2 =	vld [tilespmem:s26+$0x10080]  }
0x120: {  	v3 =	vld [tilespmem:s26+$0x10010]  }
0x121: {  	v4 =	vld [tilespmem:s26+$0x10090]  }
0x122: {  	v5 =	vld [tilespmem:s26+$0x10020]  }
0x123: {  	v6 =	vld [tilespmem:s26+$0x100A0]  }
0x124: {  	v7 =	vld [tilespmem:s26+$0x10030]  }
0x125: {  	v8 =	vld [tilespmem:s26+$0x100B0]  }
0x126: {  	v9 =	vld [tilespmem:s26+$0x10040]  }
0x127: {  	v10 =	vld [tilespmem:s26+$0x100C0]  }
0x128: {  	v11 =	vld [tilespmem:s26+$0x10050]  }
0x129: {  	v12 =	vld [tilespmem:s26+$0x100D0]  }
0x12a: {  	v13 =	vld [tilespmem:s26+$0x10060]  }
0x12b: {  	v14 =	vld [tilespmem:s26+$0x100E0]  }
0x12c: {  	[tilespmem:s26+$0x60F0] =	vst.add.f32.msk $0xffff, v0  }
0x12d: {  	v0 =	vld [tilespmem:s26+$0x10070]  }
0x12e: {  	[tilespmem:s26+$0x6000] =	vst.add.f32.msk $0xffff, v1  }
0x12f: {  	[tilespmem:s26+$0x6080] =	vst.add.f32.msk $0xffff, v2  }
0x130: {  	[tilespmem:s26+$0x6010] =	vst.add.f32.msk $0xffff, v3  }
0x131: {  	[tilespmem:s26+$0x6090] =	vst.add.f32.msk $0xffff, v4  }
0x132: {  	[tilespmem:s26+$0x6020] =	vst.add.f32.msk $0xffff, v5  }
0x133: {  	[tilespmem:s26+$0x60A0] =	vst.add.f32.msk $0xffff, v6  }
0x134: {  	[tilespmem:s26+$0x6030] =	vst.add.f32.msk $0xffff, v7  }
0x135: {  	[tilespmem:s26+$0x60B0] =	vst.add.f32.msk $0xffff, v8  }
0x136: {  	[tilespmem:s26+$0x6040] =	vst.add.f32.msk $0xffff, v9  }
0x137: {  	[tilespmem:s26+$0x60C0] =	vst.add.f32.msk $0xffff, v10  }
0x138: {  	[tilespmem:s26+$0x6050] =	vst.add.f32.msk $0xffff, v11  }
0x139: {  	[tilespmem:s26+$0x60D0] =	vst.add.f32.msk $0xffff, v12  }
0x13a: {  	[tilespmem:s26+$0x6060] =	vst.add.f32.msk $0xffff, v13  }
0x13b: {  	s31 =	smov.u32 s12;
	s9 =	simm.s32 $0x400;
	s4 =	simm.s32 $0x0;
	[tilespmem:s26+$0x60E0] =	vst.add.f32.msk $0xffff, v14  }
.LBB2_9:
0x13c: {  	s4 =	sadd.s32 $0x8, s4;
	[tilespmem:s26+$0x6070] =	vst.add.f32.msk $0xffff, v0;
	s26 =	sshra.s32 s9, $0x2  }
0x13d: {  	v0 =	vld [tilespmem:s26+$0x100F0];
	p1 =	slt.u32 s4, $0xF8  }
0x13e: {  	v1 =	vld [tilespmem:s26+$0x10000]  }
0x13f: {  	v2 =	vld [tilespmem:s26+$0x10080]  }
0x140: {  	v3 =	vld [tilespmem:s26+$0x10010]  }
0x141: {  	v4 =	vld [tilespmem:s26+$0x10090]  }
0x142: {  	[tilespmem:s26+$0x60F0] =	vst.add.f32.msk $0xffff, v0  }
0x143: {  	v5 =	vld [tilespmem:s26+$0x10020]  }
0x144: {  	v6 =	vld [tilespmem:s26+$0x100A0]  }
0x145: {  	v7 =	vld [tilespmem:s26+$0x10030]  }
0x146: {  	v8 =	vld [tilespmem:s26+$0x100B0]  }
0x147: {  	v9 =	vld [tilespmem:s26+$0x10040]  }
0x148: {  	v10 =	vld [tilespmem:s26+$0x100C0]  }
0x149: {  	v11 =	vld [tilespmem:s26+$0x10050]  }
0x14a: {  	v12 =	vld [tilespmem:s26+$0x100D0]  }
0x14b: {  	v13 =	vld [tilespmem:s26+$0x10060]  }
0x14c: {  	v14 =	vld [tilespmem:s26+$0x100E0]  }
0x14d: {  	v0 =	vld [tilespmem:s26+$0x10070]  }
0x14e: {  	[tilespmem:s26+$0x6000] =	vst.add.f32.msk $0xffff, v1  }
0x14f: {  	[tilespmem:s26+$0x6080] =	vst.add.f32.msk $0xffff, v2  }
0x150: {  	[tilespmem:s26+$0x6010] =	vst.add.f32.msk $0xffff, v3  }
0x151: {  	[tilespmem:s26+$0x6090] =	vst.add.f32.msk $0xffff, v4  }
0x152: {  	[tilespmem:s26+$0x6020] =	vst.add.f32.msk $0xffff, v5  }
0x153: {  	[tilespmem:s26+$0x60A0] =	vst.add.f32.msk $0xffff, v6  }
0x154: {  	[tilespmem:s26+$0x6030] =	vst.add.f32.msk $0xffff, v7  }
0x155: {  	[tilespmem:s26+$0x60B0] =	vst.add.f32.msk $0xffff, v8  }
0x156: {  	[tilespmem:s26+$0x6040] =	vst.add.f32.msk $0xffff, v9  }
.Ltmp5:
0x157: {  	[tilespmem:s26+$0x60C0] =	vst.add.f32.msk $0xffff, v10;
	(pc) =	sbr.rel @p1 .LBB2_9-.Ltmp5, $4  }
0x158: {  	[tilespmem:s26+$0x6050] =	vst.add.f32.msk $0xffff, v11  }
0x159: {  	[tilespmem:s26+$0x60D0] =	vst.add.f32.msk $0xffff, v12  }
0x15a: {  	[tilespmem:s26+$0x6060] =	vst.add.f32.msk $0xffff, v13  }
0x15b: {  	s9 =	sadd.s32 $0x400, s9;
	[tilespmem:s26+$0x60E0] =	vst.add.f32.msk $0xffff, v14  }
0x15c: {  	[tilespmem:s26+$0x6070] =	vst.add.f32.msk $0xffff, v0;
	s4 =	sadd.s32 $0x600000, s19;
	s26 =	simm.s32 $0x6000  }
0x15d: {  	[hbm4b:s4+s21] =	stream.strided.scatter [tilespmem:s26], [sflag:$0xC], $0x2000, s22, s21, $0x38;
	[tilespmem:$0x14000] =	vst v63  }
0x15e: {  	s4 =	simm.s32 @!p0 $0x10  }
0x15f: {  	_ =	swait.ge @!p0 [sflag:s4], $0x2000  }
0x160: {  	s9 =	simm.s32 $0xE000;
	[sflag:s4] =	ssyncset.done @!p0 $0x0;
	s19 =	rddreg [dreg:$0xf]  }
0x161: {  	[sflag:s4] =	ssyncadd.s32 @!p0 $0xFFFFE000;
	s4 =	sadd.s32 s18, s19;
	p0 =	seq.s32 s1, $0x1F  }
0x162: {  	[tilespmem:s9], [sflag:$0x8] =	stream.strided.gather [hbm4b:s4+s21], $0x2000, s22, s21, $0x38;
	[tilespmem:$0x14000] =	vst v63  }
0x163: {  	s4 =	sadd.s32 @!p0 $0x2, s13;
	s13 =	simm.s32 @!p0 $0x400  }
0x164: {  	s18 =	simm.s32 @!p0 $0x10000;
	s9 =	sshll.u32 @!p0 s4, $0xA;
	s4 =	sshll.u32 @!p0 s4, $0x5  }
0x165: {  	_ =	swait.ge [sflag:s15], $0x2000;
	s9 =	sadd.s32 @!p0 s8, s9;
	s4 =	sand.u32 @!p0 $0x40, s4  }
0x166: {  	[sflag:s15] =	ssyncset.done $0x0;
	s9 =	sand.u32 @!p0 $0x3FF000, s9;
	s4 =	sadd.s32 @!p0 s28, s4  }
0x167: {  	[sflag:s15] =	ssyncadd.s32 $0xFFFFE000;
	s4 =	sadd.s32 @!p0 s9, s4;
	s9 =	simm.s32 @!p0 $0x100  }
0x168: {  	[tilespmem:s18], [sflag:$0x11] =	stream.strided.gather @!p0 [hbm4b:s4+s9], $0x2000, s13, s9, $0x38;
	[tilespmem:$0x14000] =	vst v63  }
0x169: {  	_ =	swait.ge [sflag:s16], $0x2000  }
0x16a: {  	[sflag:s16] =	ssyncset.done $0x0  }
0x16b: {  	s13 =	simm.s32 $0x0;
	[sflag:s16] =	ssyncadd.s32 $0xFFFFE000  }
0x16c: {  	v0 =	vld [tilespmem:s13+$0x120F0]  }
0x16d: {  	v1 =	vld [tilespmem:s13+$0x12000]  }
0x16e: {  	v2 =	vld [tilespmem:s13+$0x12080]  }
0x16f: {  	v3 =	vld [tilespmem:s13+$0x12010]  }
0x170: {  	v4 =	vld [tilespmem:s13+$0x12090]  }
0x171: {  	v5 =	vld [tilespmem:s13+$0x12020]  }
0x172: {  	v6 =	vld [tilespmem:s13+$0x120A0]  }
0x173: {  	v7 =	vld [tilespmem:s13+$0x12030]  }
0x174: {  	v8 =	vld [tilespmem:s13+$0x120B0]  }
0x175: {  	v9 =	vld [tilespmem:s13+$0x12040]  }
0x176: {  	v10 =	vld [tilespmem:s13+$0x120C0]  }
0x177: {  	v11 =	vld [tilespmem:s13+$0x12050]  }
0x178: {  	v12 =	vld [tilespmem:s13+$0x120D0]  }
0x179: {  	v13 =	vld [tilespmem:s13+$0x12060]  }
0x17a: {  	v14 =	vld [tilespmem:s13+$0x120E0]  }
0x17b: {  	[tilespmem:s13+$0x80F0] =	vst.add.f32.msk $0xffff, v0  }
0x17c: {  	v0 =	vld [tilespmem:s13+$0x12070]  }
0x17d: {  	[tilespmem:s13+$0x8000] =	vst.add.f32.msk $0xffff, v1  }
0x17e: {  	[tilespmem:s13+$0x8080] =	vst.add.f32.msk $0xffff, v2  }
0x17f: {  	[tilespmem:s13+$0x8010] =	vst.add.f32.msk $0xffff, v3  }
0x180: {  	[tilespmem:s13+$0x8090] =	vst.add.f32.msk $0xffff, v4  }
0x181: {  	[tilespmem:s13+$0x8020] =	vst.add.f32.msk $0xffff, v5  }
0x182: {  	[tilespmem:s13+$0x80A0] =	vst.add.f32.msk $0xffff, v6  }
0x183: {  	[tilespmem:s13+$0x8030] =	vst.add.f32.msk $0xffff, v7  }
0x184: {  	[tilespmem:s13+$0x80B0] =	vst.add.f32.msk $0xffff, v8  }
0x185: {  	[tilespmem:s13+$0x8040] =	vst.add.f32.msk $0xffff, v9  }
0x186: {  	[tilespmem:s13+$0x80C0] =	vst.add.f32.msk $0xffff, v10  }
0x187: {  	[tilespmem:s13+$0x8050] =	vst.add.f32.msk $0xffff, v11  }
0x188: {  	s12 =	smov.u32 s28;
	s28 =	sshll.u32 s11, $0x8;
	[tilespmem:s13+$0x80D0] =	vst.add.f32.msk $0xffff, v12  }
0x189: {  	s4 =	sand.u32 $0x300, s28;
	[tilespmem:s13+$0x8060] =	vst.add.f32.msk $0xffff, v13  }
0x18a: {  	s9 =	simm.s32 $0x400;
	s11 =	sor.u32 s17, s4;
	s4 =	simm.s32 $0x0;
	[tilespmem:s13+$0x80E0] =	vst.add.f32.msk $0xffff, v14  }
.LBB2_11:
0x18b: {  	s4 =	sadd.s32 $0x8, s4;
	[tilespmem:s13+$0x8070] =	vst.add.f32.msk $0xffff, v0;
	s13 =	sshra.s32 s9, $0x2  }
0x18c: {  	v0 =	vld [tilespmem:s13+$0x120F0];
	p1 =	slt.u32 s4, $0xF8  }
0x18d: {  	v1 =	vld [tilespmem:s13+$0x12000]  }
0x18e: {  	v2 =	vld [tilespmem:s13+$0x12080]  }
0x18f: {  	v3 =	vld [tilespmem:s13+$0x12010]  }
0x190: {  	v4 =	vld [tilespmem:s13+$0x12090]  }
0x191: {  	[tilespmem:s13+$0x80F0] =	vst.add.f32.msk $0xffff, v0  }
0x192: {  	v5 =	vld [tilespmem:s13+$0x12020]  }
0x193: {  	v6 =	vld [tilespmem:s13+$0x120A0]  }
0x194: {  	v7 =	vld [tilespmem:s13+$0x12030]  }
0x195: {  	v8 =	vld [tilespmem:s13+$0x120B0]  }
0x196: {  	v9 =	vld [tilespmem:s13+$0x12040]  }
0x197: {  	v10 =	vld [tilespmem:s13+$0x120C0]  }
0x198: {  	v11 =	vld [tilespmem:s13+$0x12050]  }
0x199: {  	v12 =	vld [tilespmem:s13+$0x120D0]  }
0x19a: {  	v13 =	vld [tilespmem:s13+$0x12060]  }
0x19b: {  	v14 =	vld [tilespmem:s13+$0x120E0]  }
0x19c: {  	v0 =	vld [tilespmem:s13+$0x12070]  }
0x19d: {  	[tilespmem:s13+$0x8000] =	vst.add.f32.msk $0xffff, v1  }
0x19e: {  	[tilespmem:s13+$0x8080] =	vst.add.f32.msk $0xffff, v2  }
0x19f: {  	[tilespmem:s13+$0x8010] =	vst.add.f32.msk $0xffff, v3  }
0x1a0: {  	[tilespmem:s13+$0x8090] =	vst.add.f32.msk $0xffff, v4  }
0x1a1: {  	[tilespmem:s13+$0x8020] =	vst.add.f32.msk $0xffff, v5  }
0x1a2: {  	[tilespmem:s13+$0x80A0] =	vst.add.f32.msk $0xffff, v6  }
0x1a3: {  	[tilespmem:s13+$0x8030] =	vst.add.f32.msk $0xffff, v7  }
0x1a4: {  	[tilespmem:s13+$0x80B0] =	vst.add.f32.msk $0xffff, v8  }
0x1a5: {  	[tilespmem:s13+$0x8040] =	vst.add.f32.msk $0xffff, v9  }
.Ltmp6:
0x1a6: {  	[tilespmem:s13+$0x80C0] =	vst.add.f32.msk $0xffff, v10;
	(pc) =	sbr.rel @p1 .LBB2_11-.Ltmp6, $4  }
0x1a7: {  	[tilespmem:s13+$0x8050] =	vst.add.f32.msk $0xffff, v11  }
0x1a8: {  	[tilespmem:s13+$0x80D0] =	vst.add.f32.msk $0xffff, v12  }
0x1a9: {  	[tilespmem:s13+$0x8060] =	vst.add.f32.msk $0xffff, v13  }
0x1aa: {  	s9 =	sadd.s32 $0x400, s9;
	[tilespmem:s13+$0x80E0] =	vst.add.f32.msk $0xffff, v14  }
0x1ab: {  	s17 =	sshrl.u32 s11, $0x3  }
0x1ac: {  	[tilespmem:s13+$0x8070] =	vst.add.f32.msk $0xffff, v0;
	s9 =	simm.s32 $0x8000;
	s4 =	sadd.s32 s3, s17  }
0x1ad: {  	[hbm4b:s4+s21] =	stream.strided.scatter [tilespmem:s9], [sflag:$0xD], $0x2000, s22, s21, $0x38;
	[tilespmem:$0x14000] =	vst v63  }
0x1ae: {  	s4 =	sadd.s32 @!p0 $0x8, s7  }
0x1af: {  	s18 =	simm.s32 @!p0 $0x400;
	s9 =	sshrl.u32 @!p0 s4, $0x1  }
0x1b0: {  	s19 =	simm.s32 @!p0 $0x0;
	s4 =	sshll.u32 @!p0 s4, $0x3;
	s9 =	sadd.s32 @!p0 s6, s9  }
0x1b1: {  	_ =	swait.ge [sflag:s20], $0x2000;
	s13 =	sand.u32 @!p0 $0x40, s4;
	s9 =	sshll.u32 @!p0 s9, $0x9  }
0x1b2: {  	[sflag:s20] =	ssyncset.done $0x0;
	s4 =	sadd.s32 @!p0 s31, s13;
	s11 =	sand.u32 @!p0 $0xFFFF000, s9  }
0x1b3: {  	[sflag:s20] =	ssyncadd.s32 $0xFFFFE000;
	s9 =	simm.s32 @!p0 $0x100;
	s4 =	sadd.s32 @!p0 s11, s4  }
0x1b4: {  	[tilespmem:s19], [sflag:$0x1] =	stream.strided.gather @!p0 [hbm4b:s4+s9], $0x2000, s18, s9, $0x38;
	[tilespmem:$0x14000] =	vst v63  }
0x1b5: {  	_ =	swait.ge [sflag:s29], $0x2000  }
0x1b6: {  	[sflag:s29] =	ssyncset.done $0x0  }
0x1b7: {  	s18 =	simm.s32 $0x0;
	[sflag:s29] =	ssyncadd.s32 $0xFFFFE000  }
0x1b8: {  	v0 =	vld [tilespmem:s18+$0x120F0]  }
0x1b9: {  	v1 =	vld [tilespmem:s18+$0x12000]  }
0x1ba: {  	v2 =	vld [tilespmem:s18+$0x12080]  }
0x1bb: {  	v3 =	vld [tilespmem:s18+$0x12010]  }
0x1bc: {  	v4 =	vld [tilespmem:s18+$0x12090]  }
0x1bd: {  	v5 =	vld [tilespmem:s18+$0x12020]  }
0x1be: {  	v6 =	vld [tilespmem:s18+$0x120A0]  }
0x1bf: {  	v7 =	vld [tilespmem:s18+$0x12030]  }
0x1c0: {  	v8 =	vld [tilespmem:s18+$0x120B0]  }
0x1c1: {  	v9 =	vld [tilespmem:s18+$0x12040]  }
0x1c2: {  	v10 =	vld [tilespmem:s18+$0x120C0]  }
0x1c3: {  	v11 =	vld [tilespmem:s18+$0x12050]  }
0x1c4: {  	v12 =	vld [tilespmem:s18+$0x120D0]  }
0x1c5: {  	v13 =	vld [tilespmem:s18+$0x12060]  }
0x1c6: {  	v14 =	vld [tilespmem:s18+$0x120E0]  }
0x1c7: {  	[tilespmem:s18+$0xA0F0] =	vst.add.f32.msk $0xffff, v0  }
0x1c8: {  	v0 =	vld [tilespmem:s18+$0x12070]  }
0x1c9: {  	[tilespmem:s18+$0xA000] =	vst.add.f32.msk $0xffff, v1  }
0x1ca: {  	[tilespmem:s18+$0xA080] =	vst.add.f32.msk $0xffff, v2  }
0x1cb: {  	[tilespmem:s18+$0xA010] =	vst.add.f32.msk $0xffff, v3  }
0x1cc: {  	[tilespmem:s18+$0xA090] =	vst.add.f32.msk $0xffff, v4  }
0x1cd: {  	[tilespmem:s18+$0xA020] =	vst.add.f32.msk $0xffff, v5  }
0x1ce: {  	[tilespmem:s18+$0xA0A0] =	vst.add.f32.msk $0xffff, v6  }
0x1cf: {  	[tilespmem:s18+$0xA030] =	vst.add.f32.msk $0xffff, v7  }
0x1d0: {  	[tilespmem:s18+$0xA0B0] =	vst.add.f32.msk $0xffff, v8  }
0x1d1: {  	[tilespmem:s18+$0xA040] =	vst.add.f32.msk $0xffff, v9  }
0x1d2: {  	[tilespmem:s18+$0xA0C0] =	vst.add.f32.msk $0xffff, v10  }
0x1d3: {  	[tilespmem:s18+$0xA050] =	vst.add.f32.msk $0xffff, v11  }
0x1d4: {  	[tilespmem:s18+$0xA0D0] =	vst.add.f32.msk $0xffff, v12  }
0x1d5: {  	[tilespmem:s18+$0xA060] =	vst.add.f32.msk $0xffff, v13  }
0x1d6: {  	s4 =	simm.s32 $0x0;
	s9 =	simm.s32 $0x400;
	[tilespmem:s18+$0xA0E0] =	vst.add.f32.msk $0xffff, v14  }
.LBB2_13:
0x1d7: {  	s4 =	sadd.s32 $0x8, s4;
	[tilespmem:s18+$0xA070] =	vst.add.f32.msk $0xffff, v0;
	s18 =	sshra.s32 s9, $0x2  }
0x1d8: {  	v0 =	vld [tilespmem:s18+$0x120F0];
	p1 =	slt.u32 s4, $0xF8  }
0x1d9: {  	v1 =	vld [tilespmem:s18+$0x12000]  }
0x1da: {  	v2 =	vld [tilespmem:s18+$0x12080]  }
0x1db: {  	v3 =	vld [tilespmem:s18+$0x12010]  }
0x1dc: {  	v4 =	vld [tilespmem:s18+$0x12090]  }
0x1dd: {  	[tilespmem:s18+$0xA0F0] =	vst.add.f32.msk $0xffff, v0  }
0x1de: {  	v5 =	vld [tilespmem:s18+$0x12020]  }
0x1df: {  	v6 =	vld [tilespmem:s18+$0x120A0]  }
0x1e0: {  	v7 =	vld [tilespmem:s18+$0x12030]  }
0x1e1: {  	v8 =	vld [tilespmem:s18+$0x120B0]  }
0x1e2: {  	v9 =	vld [tilespmem:s18+$0x12040]  }
0x1e3: {  	v10 =	vld [tilespmem:s18+$0x120C0]  }
0x1e4: {  	v11 =	vld [tilespmem:s18+$0x12050]  }
0x1e5: {  	v12 =	vld [tilespmem:s18+$0x120D0]  }
0x1e6: {  	v13 =	vld [tilespmem:s18+$0x12060]  }
0x1e7: {  	v14 =	vld [tilespmem:s18+$0x120E0]  }
0x1e8: {  	v0 =	vld [tilespmem:s18+$0x12070]  }
0x1e9: {  	[tilespmem:s18+$0xA000] =	vst.add.f32.msk $0xffff, v1  }
0x1ea: {  	[tilespmem:s18+$0xA080] =	vst.add.f32.msk $0xffff, v2  }
0x1eb: {  	[tilespmem:s18+$0xA010] =	vst.add.f32.msk $0xffff, v3  }
0x1ec: {  	[tilespmem:s18+$0xA090] =	vst.add.f32.msk $0xffff, v4  }
0x1ed: {  	[tilespmem:s18+$0xA020] =	vst.add.f32.msk $0xffff, v5  }
0x1ee: {  	[tilespmem:s18+$0xA0A0] =	vst.add.f32.msk $0xffff, v6  }
0x1ef: {  	[tilespmem:s18+$0xA030] =	vst.add.f32.msk $0xffff, v7  }
0x1f0: {  	[tilespmem:s18+$0xA0B0] =	vst.add.f32.msk $0xffff, v8  }
0x1f1: {  	[tilespmem:s18+$0xA040] =	vst.add.f32.msk $0xffff, v9  }
.Ltmp7:
0x1f2: {  	[tilespmem:s18+$0xA0C0] =	vst.add.f32.msk $0xffff, v10;
	(pc) =	sbr.rel @p1 .LBB2_13-.Ltmp7, $4  }
0x1f3: {  	[tilespmem:s18+$0xA050] =	vst.add.f32.msk $0xffff, v11  }
0x1f4: {  	[tilespmem:s18+$0xA0D0] =	vst.add.f32.msk $0xffff, v12  }
0x1f5: {  	[tilespmem:s18+$0xA060] =	vst.add.f32.msk $0xffff, v13  }
0x1f6: {  	s9 =	sadd.s32 $0x400, s9;
	[tilespmem:s18+$0xA0E0] =	vst.add.f32.msk $0xffff, v14  }
0x1f7: {  	s17 =	sadd.s32 s17, s3  }
0x1f8: {  	[tilespmem:s18+$0xA070] =	vst.add.f32.msk $0xffff, v0;
	s9 =	simm.s32 $0xA000;
	s4 =	sadd.s32 $0x200000, s17  }
0x1f9: {  	[hbm4b:s4+s21] =	stream.strided.scatter [tilespmem:s9], [sflag:$0xE], $0x2000, s22, s21, $0x38;
	[tilespmem:$0x14000] =	vst v63  }
0x1fa: {  	_ =	swait.ge [sflag:s5], $0x2000  }
0x1fb: {  	s18 =	simm.s32 @!p0 $0x400;
	s4 =	rddreg [dreg:$0x7]  }
0x1fc: {  	s19 =	simm.s32 @!p0 $0x2000;
	[sflag:s5] =	ssyncset.done $0x0;
	s4 =	sadd.s32 @!p0 s13, s4  }
0x1fd: {  	s9 =	simm.s32 @!p0 $0x100;
	[sflag:s5] =	ssyncadd.s32 $0xFFFFE000;
	s4 =	sadd.s32 @!p0 s11, s4  }
0x1fe: {  	[tilespmem:s19], [sflag:$0x2] =	stream.strided.gather @!p0 [hbm4b:s4+s9], $0x2000, s18, s9, $0x38;
	[tilespmem:$0x14000] =	vst v63  }
0x1ff: {  	_ =	swait.ge [sflag:s24], $0x2000  }
0x200: {  	[sflag:s24] =	ssyncset.done $0x0  }
0x201: {  	s18 =	simm.s32 $0x0;
	[sflag:s24] =	ssyncadd.s32 $0xFFFFE000  }
0x202: {  	v0 =	vld [tilespmem:s18+$0x120F0]  }
0x203: {  	v1 =	vld [tilespmem:s18+$0x12000]  }
0x204: {  	v2 =	vld [tilespmem:s18+$0x12080]  }
0x205: {  	v3 =	vld [tilespmem:s18+$0x12010]  }
0x206: {  	v4 =	vld [tilespmem:s18+$0x12090]  }
0x207: {  	v5 =	vld [tilespmem:s18+$0x12020]  }
0x208: {  	v6 =	vld [tilespmem:s18+$0x120A0]  }
0x209: {  	v7 =	vld [tilespmem:s18+$0x12030]  }
0x20a: {  	v8 =	vld [tilespmem:s18+$0x120B0]  }
0x20b: {  	v9 =	vld [tilespmem:s18+$0x12040]  }
0x20c: {  	v10 =	vld [tilespmem:s18+$0x120C0]  }
0x20d: {  	v11 =	vld [tilespmem:s18+$0x12050]  }
0x20e: {  	v12 =	vld [tilespmem:s18+$0x120D0]  }
0x20f: {  	v13 =	vld [tilespmem:s18+$0x12060]  }
0x210: {  	v14 =	vld [tilespmem:s18+$0x120E0]  }
0x211: {  	[tilespmem:s18+$0xC0F0] =	vst.add.f32.msk $0xffff, v0  }
0x212: {  	v0 =	vld [tilespmem:s18+$0x12070]  }
0x213: {  	[tilespmem:s18+$0xC000] =	vst.add.f32.msk $0xffff, v1  }
0x214: {  	[tilespmem:s18+$0xC080] =	vst.add.f32.msk $0xffff, v2  }
0x215: {  	[tilespmem:s18+$0xC010] =	vst.add.f32.msk $0xffff, v3  }
0x216: {  	[tilespmem:s18+$0xC090] =	vst.add.f32.msk $0xffff, v4  }
0x217: {  	[tilespmem:s18+$0xC020] =	vst.add.f32.msk $0xffff, v5  }
0x218: {  	[tilespmem:s18+$0xC0A0] =	vst.add.f32.msk $0xffff, v6  }
0x219: {  	[tilespmem:s18+$0xC030] =	vst.add.f32.msk $0xffff, v7  }
0x21a: {  	[tilespmem:s18+$0xC0B0] =	vst.add.f32.msk $0xffff, v8  }
0x21b: {  	[tilespmem:s18+$0xC040] =	vst.add.f32.msk $0xffff, v9  }
0x21c: {  	[tilespmem:s18+$0xC0C0] =	vst.add.f32.msk $0xffff, v10  }
0x21d: {  	[tilespmem:s18+$0xC050] =	vst.add.f32.msk $0xffff, v11  }
0x21e: {  	[tilespmem:s18+$0xC0D0] =	vst.add.f32.msk $0xffff, v12  }
0x21f: {  	[tilespmem:s18+$0xC060] =	vst.add.f32.msk $0xffff, v13  }
0x220: {  	s4 =	simm.s32 $0x0;
	s9 =	simm.s32 $0x400;
	[tilespmem:s18+$0xC0E0] =	vst.add.f32.msk $0xffff, v14  }
.LBB2_15:
0x221: {  	s4 =	sadd.s32 $0x8, s4;
	[tilespmem:s18+$0xC070] =	vst.add.f32.msk $0xffff, v0;
	s18 =	sshra.s32 s9, $0x2  }
0x222: {  	v0 =	vld [tilespmem:s18+$0x120F0];
	p1 =	slt.u32 s4, $0xF8  }
0x223: {  	v1 =	vld [tilespmem:s18+$0x12000]  }
0x224: {  	v2 =	vld [tilespmem:s18+$0x12080]  }
0x225: {  	v3 =	vld [tilespmem:s18+$0x12010]  }
0x226: {  	v4 =	vld [tilespmem:s18+$0x12090]  }
0x227: {  	[tilespmem:s18+$0xC0F0] =	vst.add.f32.msk $0xffff, v0  }
0x228: {  	v5 =	vld [tilespmem:s18+$0x12020]  }
0x229: {  	v6 =	vld [tilespmem:s18+$0x120A0]  }
0x22a: {  	v7 =	vld [tilespmem:s18+$0x12030]  }
0x22b: {  	v8 =	vld [tilespmem:s18+$0x120B0]  }
0x22c: {  	v9 =	vld [tilespmem:s18+$0x12040]  }
0x22d: {  	v10 =	vld [tilespmem:s18+$0x120C0]  }
0x22e: {  	v11 =	vld [tilespmem:s18+$0x12050]  }
0x22f: {  	v12 =	vld [tilespmem:s18+$0x120D0]  }
0x230: {  	v13 =	vld [tilespmem:s18+$0x12060]  }
0x231: {  	v14 =	vld [tilespmem:s18+$0x120E0]  }
0x232: {  	v0 =	vld [tilespmem:s18+$0x12070]  }
0x233: {  	[tilespmem:s18+$0xC000] =	vst.add.f32.msk $0xffff, v1  }
0x234: {  	[tilespmem:s18+$0xC080] =	vst.add.f32.msk $0xffff, v2  }
0x235: {  	[tilespmem:s18+$0xC010] =	vst.add.f32.msk $0xffff, v3  }
0x236: {  	[tilespmem:s18+$0xC090] =	vst.add.f32.msk $0xffff, v4  }
0x237: {  	[tilespmem:s18+$0xC020] =	vst.add.f32.msk $0xffff, v5  }
0x238: {  	[tilespmem:s18+$0xC0A0] =	vst.add.f32.msk $0xffff, v6  }
0x239: {  	[tilespmem:s18+$0xC030] =	vst.add.f32.msk $0xffff, v7  }
0x23a: {  	[tilespmem:s18+$0xC0B0] =	vst.add.f32.msk $0xffff, v8  }
0x23b: {  	[tilespmem:s18+$0xC040] =	vst.add.f32.msk $0xffff, v9  }
.Ltmp8:
0x23c: {  	[tilespmem:s18+$0xC0C0] =	vst.add.f32.msk $0xffff, v10;
	(pc) =	sbr.rel @p1 .LBB2_15-.Ltmp8, $4  }
0x23d: {  	[tilespmem:s18+$0xC050] =	vst.add.f32.msk $0xffff, v11  }
0x23e: {  	[tilespmem:s18+$0xC0D0] =	vst.add.f32.msk $0xffff, v12  }
0x23f: {  	[tilespmem:s18+$0xC060] =	vst.add.f32.msk $0xffff, v13  }
0x240: {  	s9 =	sadd.s32 $0x400, s9;
	[tilespmem:s18+$0xC0E0] =	vst.add.f32.msk $0xffff, v14  }
0x241: {  	[tilespmem:s18+$0xC070] =	vst.add.f32.msk $0xffff, v0;
	s4 =	sadd.s32 $0x400000, s17;
	s9 =	simm.s32 $0xC000  }
0x242: {  	[hbm4b:s4+s21] =	stream.strided.scatter [tilespmem:s9], [sflag:$0xF], $0x2000, s22, s21, $0x38;
	[tilespmem:$0x14000] =	vst v63  }
0x243: {  	_ =	swait.ge [sflag:s25], $0x2000  }
0x244: {  	[sflag:s25] =	ssyncset.done $0x0;
	s4 =	rddreg [dreg:$0x9]  }
0x245: {  	s9 =	simm.s32 @!p0 $0x100;
	s4 =	sadd.s32 @!p0 s13, s4;
	[sflag:s25] =	ssyncadd.s32 $0xFFFFE000  }
0x246: {  	s13 =	simm.s32 @!p0 $0x4000;
	s4 =	sadd.s32 @!p0 s11, s4;
	s11 =	simm.s32 @!p0 $0x400  }
0x247: {  	[tilespmem:s13], [sflag:$0x3] =	stream.strided.gather @!p0 [hbm4b:s4+s9], $0x2000, s11, s9, $0x38;
	[tilespmem:$0x14000] =	vst v63  }
0x248: {  	_ =	swait.ge [sflag:s14], $0x2000  }
0x249: {  	[sflag:s14] =	ssyncset.done $0x0  }
0x24a: {  	s11 =	simm.s32 $0x0;
	[sflag:s14] =	ssyncadd.s32 $0xFFFFE000  }
0x24b: {  	v0 =	vld [tilespmem:s11+$0x120F0]  }
0x24c: {  	v1 =	vld [tilespmem:s11+$0x12000]  }
0x24d: {  	v2 =	vld [tilespmem:s11+$0x12080]  }
0x24e: {  	v3 =	vld [tilespmem:s11+$0x12010]  }
0x24f: {  	v4 =	vld [tilespmem:s11+$0x12090]  }
0x250: {  	v5 =	vld [tilespmem:s11+$0x12020]  }
0x251: {  	v6 =	vld [tilespmem:s11+$0x120A0]  }
0x252: {  	v7 =	vld [tilespmem:s11+$0x12030]  }
0x253: {  	v8 =	vld [tilespmem:s11+$0x120B0]  }
0x254: {  	v9 =	vld [tilespmem:s11+$0x12040]  }
0x255: {  	v10 =	vld [tilespmem:s11+$0x120C0]  }
0x256: {  	v11 =	vld [tilespmem:s11+$0x12050]  }
0x257: {  	v12 =	vld [tilespmem:s11+$0x120D0]  }
0x258: {  	v13 =	vld [tilespmem:s11+$0x12060]  }
0x259: {  	v14 =	vld [tilespmem:s11+$0x120E0]  }
0x25a: {  	[tilespmem:s11+$0xE0F0] =	vst.add.f32.msk $0xffff, v0  }
0x25b: {  	v0 =	vld [tilespmem:s11+$0x12070]  }
0x25c: {  	[tilespmem:s11+$0xE000] =	vst.add.f32.msk $0xffff, v1  }
0x25d: {  	[tilespmem:s11+$0xE080] =	vst.add.f32.msk $0xffff, v2  }
0x25e: {  	[tilespmem:s11+$0xE010] =	vst.add.f32.msk $0xffff, v3  }
0x25f: {  	[tilespmem:s11+$0xE090] =	vst.add.f32.msk $0xffff, v4  }
0x260: {  	[tilespmem:s11+$0xE020] =	vst.add.f32.msk $0xffff, v5  }
0x261: {  	[tilespmem:s11+$0xE0A0] =	vst.add.f32.msk $0xffff, v6  }
0x262: {  	[tilespmem:s11+$0xE030] =	vst.add.f32.msk $0xffff, v7  }
0x263: {  	[tilespmem:s11+$0xE0B0] =	vst.add.f32.msk $0xffff, v8  }
0x264: {  	[tilespmem:s11+$0xE040] =	vst.add.f32.msk $0xffff, v9  }
0x265: {  	[tilespmem:s11+$0xE0C0] =	vst.add.f32.msk $0xffff, v10  }
0x266: {  	[tilespmem:s11+$0xE050] =	vst.add.f32.msk $0xffff, v11  }
0x267: {  	[tilespmem:s11+$0xE0D0] =	vst.add.f32.msk $0xffff, v12  }
0x268: {  	[tilespmem:s11+$0xE060] =	vst.add.f32.msk $0xffff, v13  }
0x269: {  	s4 =	simm.s32 $0x0;
	s9 =	simm.s32 $0x400;
	[tilespmem:s11+$0xE0E0] =	vst.add.f32.msk $0xffff, v14  }
.LBB2_17:
0x26a: {  	s4 =	sadd.s32 $0x8, s4;
	[tilespmem:s11+$0xE070] =	vst.add.f32.msk $0xffff, v0;
	s11 =	sshra.s32 s9, $0x2  }
0x26b: {  	v0 =	vld [tilespmem:s11+$0x120F0];
	p1 =	slt.u32 s4, $0xF8  }
0x26c: {  	v1 =	vld [tilespmem:s11+$0x12000]  }
0x26d: {  	v2 =	vld [tilespmem:s11+$0x12080]  }
0x26e: {  	v3 =	vld [tilespmem:s11+$0x12010]  }
0x26f: {  	v4 =	vld [tilespmem:s11+$0x12090]  }
0x270: {  	[tilespmem:s11+$0xE0F0] =	vst.add.f32.msk $0xffff, v0  }
0x271: {  	v5 =	vld [tilespmem:s11+$0x12020]  }
0x272: {  	v6 =	vld [tilespmem:s11+$0x120A0]  }
0x273: {  	v7 =	vld [tilespmem:s11+$0x12030]  }
0x274: {  	v8 =	vld [tilespmem:s11+$0x120B0]  }
0x275: {  	v9 =	vld [tilespmem:s11+$0x12040]  }
0x276: {  	v10 =	vld [tilespmem:s11+$0x120C0]  }
0x277: {  	v11 =	vld [tilespmem:s11+$0x12050]  }
0x278: {  	v12 =	vld [tilespmem:s11+$0x120D0]  }
0x279: {  	v13 =	vld [tilespmem:s11+$0x12060]  }
0x27a: {  	v14 =	vld [tilespmem:s11+$0x120E0]  }
0x27b: {  	v0 =	vld [tilespmem:s11+$0x12070]  }
0x27c: {  	[tilespmem:s11+$0xE000] =	vst.add.f32.msk $0xffff, v1  }
0x27d: {  	[tilespmem:s11+$0xE080] =	vst.add.f32.msk $0xffff, v2  }
0x27e: {  	[tilespmem:s11+$0xE010] =	vst.add.f32.msk $0xffff, v3  }
0x27f: {  	[tilespmem:s11+$0xE090] =	vst.add.f32.msk $0xffff, v4  }
0x280: {  	[tilespmem:s11+$0xE020] =	vst.add.f32.msk $0xffff, v5  }
0x281: {  	[tilespmem:s11+$0xE0A0] =	vst.add.f32.msk $0xffff, v6  }
0x282: {  	[tilespmem:s11+$0xE030] =	vst.add.f32.msk $0xffff, v7  }
0x283: {  	[tilespmem:s11+$0xE0B0] =	vst.add.f32.msk $0xffff, v8  }
0x284: {  	[tilespmem:s11+$0xE040] =	vst.add.f32.msk $0xffff, v9  }
.Ltmp9:
0x285: {  	[tilespmem:s11+$0xE0C0] =	vst.add.f32.msk $0xffff, v10;
	(pc) =	sbr.rel @p1 .LBB2_17-.Ltmp9, $4  }
0x286: {  	[tilespmem:s11+$0xE050] =	vst.add.f32.msk $0xffff, v11  }
0x287: {  	[tilespmem:s11+$0xE0D0] =	vst.add.f32.msk $0xffff, v12  }
0x288: {  	[tilespmem:s11+$0xE060] =	vst.add.f32.msk $0xffff, v13  }
0x289: {  	s9 =	sadd.s32 $0x400, s9;
	[tilespmem:s11+$0xE0E0] =	vst.add.f32.msk $0xffff, v14  }
.Ltmp10:
0x28a: {  	[tilespmem:s11+$0xE070] =	vst.add.f32.msk $0xffff, v0;
	s4 =	sadd.s32 $0x600000, s17;
	s9 =	simm.s32 $0xE000;
	(pc) =	sbr.rel @p0 .LBB2_20-.Ltmp10, $4  }
0x28b: {  	[hbm4b:s4+s21] =	stream.strided.scatter [tilespmem:s9], [sflag:$0x10], $0x2000, s22, s21, $0x38;
	[tilespmem:$0x14000] =	vst v63  }
0x28c: {  	_ =	swait.ge [sflag:s2], $0x2000  }
0x28d: {  	[sflag:s2] =	ssyncset.done $0x0  }
0x28e: {  	[sflag:s2] =	ssyncadd.s32 $0xFFFFE000  }
0x28f: {  	s4 =	sadd.s32 $0x8, s7  }
0x290: {  	s7 =	sshrl.u32 s4, $0x1  }
.Ltmp11:
0x291: {  	s4 =	sshll.u32 s4, $0x3;
	s7 =	sadd.s32 s6, s7;
	(pc) =	sbr.rel .LBB2_2-.Ltmp11, $4  }
0x292: {  	s9 =	rddreg [dreg:$0xa];
	s4 =	sand.u32 $0x40, s4;
	s7 =	sshll.u32 s7, $0x9  }
0x293: {  	s4 =	sadd.s32 s4, s9;
	s7 =	sand.u32 $0xFFFF000, s7  }
0x294: {  	s1 =	sadd.s32 $0x1, s1;
	s4 =	sadd.s32 s7, s4  }
0x295: {  	[tilespmem:s26], [sflag:$0x4] =	stream.strided.gather [hbm4b:s4+s21], $0x2000, s22, s21, $0x38;
	[tilespmem:$0x14000] =	vst v63  }
.LBB2_21:
0x296: {  	_ =	sfence.sel $0x180000  }
0x297: {  	[bflag:$0x0] =	sbarrier.arrive $0xFFFF  }
0x298: {  	_ =	strace $0x90000047  }
0x299: {  	s0 =	stileid.u32;
	[bflag:$0x2] =	sbarrier.arrive $0xFFFF  }
0x29a: {  	p0 =	sne.s32 s0, $0x0;
	s0 =	rddreg [dreg:$0x3]  }
0x29b: {  	s0 =	sadd.s32 @!p0 $0x100000, s0  }
0x29c: {  	[sflag:s0] =	ssyncadd.tile.s32 @!p0 $0x1;
	_ =	shalt  }
.Lfunc_end2:
_tile_overlayer_lowered:
.L_overlay_start_2:
0x29d: {  	(tag) =	ssettag $0x2  }
0x29e: {  	s0 =	rddreg [dreg:$0x0];
	s2 =	stileid.u32  }
0x29f: {  	s1 =	rddreg [dreg:$0x1];
	p0 =	sne.s32 s2, $0x0  }
0x2a0: {  	s3 =	rddreg [dreg:$0x2];
	[bflag:$0x3] =	sbarrier.arrive $0xFFFF;
	s2 =	simm.s32 @!p0 $0x1C13  }
0x2a1: {  	[timem:s3], [sflag:s2] =	dma.local @!p0 [hbm:s0], s1  }
0x2a2: {  	s0 =	simm.s32 @!p0 $0x13  }
0x2a3: {  	_ =	swait.ge @!p0 [sflag:s0], s1  }
0x2a4: {  	s1 =	ssub.s32 @!p0 $0x0, s1;
	[sflag:s0] =	ssyncset.done @!p0 $0x0  }
0x2a5: {  	[sflag:s0] =	ssyncadd.s32 @!p0 s1  }
0x2a6: {  	[bflag:$0x3] =	sbarrier.arrive $0xFFFF  }
0x2a7: {  	_ =	shalt  }

</sc_bundles>
